<compile_context>
chip_gen: v7x
topology: tpu7x:2x2x1
jax: 0.10.2.dev20260603
libtpu: 0.0.44.dev20260713+nightly
codegen_flags: <defaults>
</compile_context>

<pallas_src>
import functools

import jax
import jax.numpy as jnp
from jax import lax
from jax.experimental import pallas as pl
from jax.experimental.pallas import tpu as pltpu
from jax.experimental.pallas import tpu_sc as plsc

NC = 2
NS = 16
NW = NC * NS
B = 128
C = 1024
L = 16


def _pick_k(total):
    for k in range(56, 0, -1):
        if total % k == 0:
            return k
    return 1


def _sc_histogram(dstp, zeros1, ones_kb, n_pad, G, KB):
    rows_per_tile = n_pad // NS
    mesh = plsc.VectorSubcoreMesh(core_axis_name="c", subcore_axis_name="s")

    @functools.partial(
        pl.kernel,
        out_type=jax.ShapeDtypeStruct((NC, n_pad), jnp.float32),
        mesh=mesh,
        scratch_types=[
            pltpu.VMEM_SHARED((n_pad,), jnp.float32),
            pltpu.VMEM((KB,), jnp.int32),
            pltpu.VMEM((KB,), jnp.float32),
        ],
    )
    def hist_kernel(dst_hbm, zeros_hbm, ones_hbm, deg_out,
                    deg_sp, dst_buf, ones_v):
        c = lax.axis_index("c")
        s = lax.axis_index("s")
        wid = c * NS + s
        sl = pl.ds(s * rows_per_tile, rows_per_tile)
        pltpu.sync_copy(zeros_hbm.at[sl], deg_sp.at[sl])
        pltpu.sync_copy(ones_hbm, ones_v)
        plsc.subcore_barrier()

        def outer(g, carry):
            pltpu.sync_copy(dst_hbm.at[wid, g], dst_buf)
            pltpu.sync_copy(ones_v, deg_sp.at[dst_buf], add=True)
            return carry

        lax.fori_loop(0, G, outer, 0)
        plsc.subcore_barrier()
        pltpu.sync_copy(deg_sp.at[sl], deg_out.at[c, sl])

    return hist_kernel(dstp, zeros1, ones_kb)


def _sc_edges(srcp, dstp, degp, xt, zeros1, n_pad, G, KB):
    rows_per_tile = n_pad // NS
    mesh = plsc.VectorSubcoreMesh(core_axis_name="c", subcore_axis_name="s")

    @functools.partial(
        pl.kernel,
        out_type=jax.ShapeDtypeStruct((NC, 4, n_pad), jnp.float32),
        mesh=mesh,
        compiler_params=pltpu.CompilerParams(needs_layout_passes=False),
        scratch_types=[
            pltpu.VMEM_SHARED((n_pad,), jnp.float32),
            pltpu.VMEM_SHARED((n_pad,), jnp.float32),
            pltpu.VMEM_SHARED((n_pad,), jnp.float32),
            pltpu.VMEM_SHARED((n_pad,), jnp.float32),
            pltpu.VMEM_SHARED((n_pad,), jnp.float32),
            pltpu.VMEM_SHARED((n_pad,), jnp.float32),
            pltpu.VMEM_SHARED((n_pad,), jnp.float32),
            pltpu.VMEM_SHARED((n_pad,), jnp.float32),
            pltpu.VMEM((KB,), jnp.int32),
            pltpu.VMEM((KB,), jnp.int32),
            pltpu.VMEM((KB,), jnp.float32),
            pltpu.VMEM((KB,), jnp.float32),
            pltpu.VMEM((KB,), jnp.float32),
            pltpu.VMEM((KB,), jnp.float32),
            pltpu.VMEM((rows_per_tile,), jnp.float32),
            pltpu.VMEM((rows_per_tile,), jnp.float32),
            pltpu.SemaphoreType.DMA,
            pltpu.SemaphoreType.DMA,
            pltpu.SemaphoreType.DMA,
            pltpu.SemaphoreType.DMA,
            pltpu.SemaphoreType.DMA,
            pltpu.SemaphoreType.DMA,
            pltpu.SemaphoreType.DMA,
            pltpu.SemaphoreType.DMA,
        ],
    )
    def edge_kernel(src_hbm, dst_hbm, degp_hbm, xt_hbm, z_hbm, acc_out,
                    a0, a1, a2, a3, w0_sp, w1_sp, w2_sp, w3_sp,
                    src_buf, dst_buf, cv0, cv1, cv2, cv3, disv, xv,
                    g0, g1, g2, g3, s0, s1, s2, s3):
        c = lax.axis_index("c")
        s = lax.axis_index("s")
        wid = c * NS + s
        row0 = s * rows_per_tile
        sl = pl.ds(row0, rows_per_tile)
        for a in (a0, a1, a2, a3):
            pltpu.sync_copy(z_hbm.at[sl], a.at[sl])
        pltpu.sync_copy(degp_hbm.at[0, sl], disv)
        pltpu.sync_copy(degp_hbm.at[1, sl], xv)

        def rsqrt_step(i, carry):
            ds16 = pl.ds(i * L, L)
            deg = disv[ds16] + xv[ds16] + 1.0
            iy = jnp.int32(0x5F3759DF) - lax.shift_right_logical(
                plsc.bitcast(deg, jnp.int32), 1)
            y = plsc.bitcast(iy, jnp.float32)
            y = y * (1.5 - 0.5 * deg * y * y)
            y = y * (1.5 - 0.5 * deg * y * y)
            y = y * (1.5 - 0.5 * deg * y * y)
            disv[ds16] = y
            return carry

        lax.fori_loop(0, rows_per_tile // L, rsqrt_step, 0)
        for k, w_sp in enumerate((w0_sp, w1_sp, w2_sp, w3_sp)):
            pltpu.sync_copy(xt_hbm.at[k, sl], xv)

            def scale_step(i, carry):
                ds16 = pl.ds(i * L, L)
                xv[ds16] = xv[ds16] * disv[ds16]
                return carry

            lax.fori_loop(0, rows_per_tile // L, scale_step, 0)
            pltpu.sync_copy(xv, w_sp.at[sl])
        plsc.subcore_barrier()

        cols = ((w0_sp, a0, cv0, g0, s0), (w1_sp, a1, cv1, g1, s1),
                (w2_sp, a2, cv2, g2, s2), (w3_sp, a3, cv3, g3, s3))

        def outer(g, carry):
            pltpu.sync_copy(src_hbm.at[wid, g], src_buf)
            pltpu.sync_copy(dst_hbm.at[wid, g], dst_buf)
            gds = [pltpu.async_copy(w_sp.at[src_buf], cv, gsem)
                   for (w_sp, a, cv, gsem, ssem) in cols]
            sds = []
            for gd, (w_sp, a, cv, gsem, ssem) in zip(gds, cols):
                gd.wait()
                sds.append(pltpu.async_copy(cv, a.at[dst_buf], ssem, add=True))
            for sd in sds:
                sd.wait()
            return carry

        lax.fori_loop(0, G, outer, 0)
        plsc.subcore_barrier()
        for k, a in enumerate((a0, a1, a2, a3)):
            pltpu.sync_copy(a.at[sl], acc_out.at[c, k, sl])

    return edge_kernel(srcp, dstp, degp, xt, zeros1)


def _tc_final(accp, degp, xt, W, b, n, n_pad):
    def body(accp_ref, degp_ref, xt_ref, w_ref, b_ref, out_ref):
        deg = degp_ref[0, :] + degp_ref[1, :] + 1.0
        dis = lax.rsqrt(deg)
        st = dis[None, :] * (accp_ref[0] + accp_ref[1]) \
            + (dis * dis)[None, :] * xt_ref[...]
        out_ref[...] = (
            lax.dot_general(st, w_ref[...], (((0,), (0,)), ((), ())),
                            preferred_element_type=jnp.float32)
            + b_ref[...][None, :]
        )

    return pl.pallas_call(
        body,
        grid=(pl.cdiv(n, C),),
        in_specs=[
            pl.BlockSpec((NC, 4, C), lambda i: (0, 0, i)),
            pl.BlockSpec((NC, C), lambda i: (0, i)),
            pl.BlockSpec((4, C), lambda i: (0, i)),
            pl.BlockSpec((4, 128), lambda i: (0, 0)),
            pl.BlockSpec((128,), lambda i: (0,)),
        ],
        out_specs=pl.BlockSpec((C, 128), lambda i: (i, 0)),
        out_shape=jax.ShapeDtypeStruct((n, W.shape[1]), jnp.float32),
    )(accp, degp, xt, W, b)


def kernel(x, edge_index, W, b):
    n = x.shape[0]
    e = edge_index.shape[1]
    n_pad = pl.cdiv(n + 1, C) * C
    per_w = pl.cdiv(e, NW * B) * B
    total = per_w // B
    K = _pick_k(total)
    G = total // K
    KB = K * B
    pad_e = NW * per_w - e

    fill = jnp.full((pad_e,), n, dtype=jnp.int32)
    srcp = jnp.concatenate([edge_index[0], fill]).reshape(NW, G, KB)
    dstp = jnp.concatenate([edge_index[1], fill]).reshape(NW, G, KB)
    xt = jnp.zeros((4, n_pad), jnp.float32).at[:, :n].set(x.T)
    zeros1 = jnp.zeros((n_pad,), jnp.float32)
    ones_kb = jnp.ones((KB,), jnp.float32)

    degp = _sc_histogram(dstp, zeros1, ones_kb, n_pad, G, KB)
    accp = _sc_edges(srcp, dstp, degp, xt, zeros1, n_pad, G, KB)
    return _tc_final(accp, degp, xt, W, b, n, n_pad)

# --- scband reference (transcript-rebuilt; emitter-appended) ---
"""Pipeline reference for scband-embed-block-47519518163429 (READ-ONLY COPY).

The authoritative reference and input builder live on the scoring server;
editing this copy changes nothing except your own understanding.
"""

import jax, jax.numpy as jnp
import numpy as np

N = 100000
E = 1600000
IN_CH = 4
OUT_CH = 128


def setup_inputs(seed: int = 0) -> dict:
    key = jax.random.key(seed)
    k1, k2, k3 = jax.random.split(key, 3)
    x = jax.random.normal(k1, (N, IN_CH), dtype=jnp.float32)
    edge_index = jax.random.randint(k2, (2, E), 0, N, dtype=jnp.int32)
    # GCNConv learned parameters (glorot weight, zero bias)
    W = jax.random.normal(k3, (IN_CH, OUT_CH), dtype=jnp.float32) * jnp.sqrt(2.0 / (IN_CH + OUT_CH))
    b = jnp.zeros((OUT_CH,), dtype=jnp.float32)
    return {"x": x, "edge_index": edge_index, "W": W, "b": b}


def reference(x, edge_index, W, b):
    # Faithful GCNConv: add self-loops, symmetric normalization, linear, scatter-add, bias
    n = x.shape[0]
    src = edge_index[0]
    dst = edge_index[1]
    loop = jnp.arange(n, dtype=edge_index.dtype)
    src = jnp.concatenate([src, loop], axis=0)
    dst = jnp.concatenate([dst, loop], axis=0)
    # degree computed on destination nodes (in-degree incl. self-loops)
    deg = jnp.zeros((n,), dtype=x.dtype).at[dst].add(1.0)
    deg_inv_sqrt = jnp.where(deg > 0, jax.lax.rsqrt(deg), 0.0)
    norm = deg_inv_sqrt[src] * deg_inv_sqrt[dst]
    h = x @ W
    msgs = h[src] * norm[:, None]
    out = jnp.zeros((n, W.shape[1]), dtype=x.dtype).at[dst].add(msgs)
    return out + b

if __name__ == "__main__":
    import jax
    _d = setup_inputs()
    print(jax.jit(kernel)(*tuple(_d.values())))

</pallas_src>

<mosaic_0001>
#map = affine_map<(d0, d1) -> (0, 0, 0)>
#map1 = affine_map<(d0, d1) -> (0)>
#map2 = affine_map<(d0, d1) -> (0, 0)>
module attributes {stable_mosaic.version = 14 : i64} {
  func.func @hist_kernel(%arg0: i32, %arg1: i32, %arg2: memref<32x17x2944xi32, #tpu.memory_space<hbm>>, %arg3: memref<100352xf32, #tpu.memory_space<hbm>>, %arg4: memref<2944xf32, #tpu.memory_space<hbm>>, %arg5: memref<2x100352xf32, #tpu.memory_space<hbm>>, %arg6: memref<100352xf32, #tpu.memory_space<vmem_shared>>, %arg7: memref<2944xi32, #tpu.memory_space<vmem>>, %arg8: memref<2944xf32, #tpu.memory_space<vmem>>) attributes {dimension_semantics = [#tpu.dimension_semantics<core_parallel>, #tpu.dimension_semantics<subcore_parallel>], iteration_bounds = array<i64: 2, 16>, scalar_prefetch = 0 : i64, scratch_operands = 3 : i64, tpu.core_type = #tpu.core_type<sc_vector_subcore>, window_params = [{transform_indices = #map}, {transform_indices = #map1}, {transform_indices = #map1}, {transform_indices = #map2}]} {
    %mul3A = arith.constant 16 : i32
    %mul3A_0 = arith.muli %arg0, %mul3A : i32
    %add3A = arith.addi %mul3A_0, %arg1 : i32
    %mul3A_1 = arith.constant 6272 : i32
    %mul3A_2 = arith.muli %arg1, %mul3A_1 : i32
    "tpu.region"() ({
      %run_scoped3A = tpu.sem_alloc : memref<!tpu.dma_semaphore, #tpu.memory_space<semaphore_mem>>
      %dma_start3A = tpu.memref_slice %arg6[%mul3A_2] : memref<100352xf32, #tpu.memory_space<vmem_shared>> -> memref<6272xf32, #tpu.memory_space<vmem_shared>>
      %dma_start3A_9 = tpu.memref_slice %arg3[%mul3A_2] : memref<100352xf32, #tpu.memory_space<hbm>> -> memref<6272xf32, #tpu.memory_space<hbm>>
      tpu.enqueue_dma source(%dma_start3A_9 : memref<6272xf32, #tpu.memory_space<hbm>>) target(%dma_start3A : memref<6272xf32, #tpu.memory_space<vmem_shared>>) target_semaphore(%run_scoped3A : memref<!tpu.dma_semaphore, #tpu.memory_space<semaphore_mem>>)
      %dma_wait3A = tpu.memref_slice %arg6[%mul3A_2] : memref<100352xf32, #tpu.memory_space<vmem_shared>> -> memref<6272xf32, #tpu.memory_space<vmem_shared>>
      %dma_wait3A_10 = tpu.memref_slice %arg3[%mul3A_2] : memref<100352xf32, #tpu.memory_space<hbm>> -> memref<6272xf32, #tpu.memory_space<hbm>>
      tpu.wait_dma2 semaphore(%run_scoped3A : memref<!tpu.dma_semaphore, #tpu.memory_space<semaphore_mem>>) src(%dma_wait3A_10 : memref<6272xf32, #tpu.memory_space<hbm>>) dst(%dma_wait3A : memref<6272xf32, #tpu.memory_space<vmem_shared>>)
      tpu.yield
    }) : () -> ()
    "tpu.region"() ({
      %run_scoped3A = tpu.sem_alloc : memref<!tpu.dma_semaphore, #tpu.memory_space<semaphore_mem>>
      tpu.enqueue_dma source(%arg4 : memref<2944xf32, #tpu.memory_space<hbm>>) target(%arg8 : memref<2944xf32, #tpu.memory_space<vmem>>) target_semaphore(%run_scoped3A : memref<!tpu.dma_semaphore, #tpu.memory_space<semaphore_mem>>)
      tpu.wait_dma2 semaphore(%run_scoped3A : memref<!tpu.dma_semaphore, #tpu.memory_space<semaphore_mem>>) src(%arg4 : memref<2944xf32, #tpu.memory_space<hbm>>) dst(%arg8 : memref<2944xf32, #tpu.memory_space<vmem>>)
      tpu.yield
    }) : () -> ()
    %barrier3A = arith.constant 0 : index
    tpu.barrier barrier_id(%barrier3A)
    %scan3A = arith.constant 0 : i32
    %scan3A_3 = arith.constant 0 : i32
    %scan3A_4 = arith.constant 17 : i32
    %scan3A_5 = arith.addi %scan3A_3, %scan3A_4 : i32
    %scan3A_6 = arith.constant 1 : i32
    scf.for %scan3A_9 = %scan3A_3 to %scan3A_5 step %scan3A_6  : i32 {
      "tpu.region"() ({
        %run_scoped3A = tpu.sem_alloc : memref<!tpu.dma_semaphore, #tpu.memory_space<semaphore_mem>>
        %dma_start3A = arith.constant 0 : i32
        %dma_start3A_10 = tpu.memref_slice %arg2[%add3A, %scan3A_9, %dma_start3A] : memref<32x17x2944xi32, #tpu.memory_space<hbm>> -> memref<1x1x2944xi32, #tpu.memory_space<hbm>>
        %dma_start3A_11 = tpu.memref_squeeze %dma_start3A_10 : memref<1x1x2944xi32, #tpu.memory_space<hbm>> -> memref<2944xi32, #tpu.memory_space<hbm>>
        %dma_start3A_12 = arith.constant 0 : i32
        %dma_start3A_13 = tpu.memref_slice %arg2[%add3A, %scan3A_9, %dma_start3A_12] : memref<32x17x2944xi32, #tpu.memory_space<hbm>> -> memref<1x1x2944xi32, #tpu.memory_space<hbm>>
        %dma_start3A_14 = tpu.memref_squeeze %dma_start3A_13 : memref<1x1x2944xi32, #tpu.memory_space<hbm>> -> memref<2944xi32, #tpu.memory_space<hbm>>
        tpu.enqueue_dma source(%dma_start3A_14 : memref<2944xi32, #tpu.memory_space<hbm>>) target(%arg7 : memref<2944xi32, #tpu.memory_space<vmem>>) target_semaphore(%run_scoped3A : memref<!tpu.dma_semaphore, #tpu.memory_space<semaphore_mem>>)
        %dma_wait3A = arith.constant 0 : i32
        %dma_wait3A_15 = tpu.memref_slice %arg2[%add3A, %scan3A_9, %dma_wait3A] : memref<32x17x2944xi32, #tpu.memory_space<hbm>> -> memref<1x1x2944xi32, #tpu.memory_space<hbm>>
        %dma_wait3A_16 = tpu.memref_squeeze %dma_wait3A_15 : memref<1x1x2944xi32, #tpu.memory_space<hbm>> -> memref<2944xi32, #tpu.memory_space<hbm>>
        %dma_wait3A_17 = arith.constant 0 : i32
        %dma_wait3A_18 = tpu.memref_slice %arg2[%add3A, %scan3A_9, %dma_wait3A_17] : memref<32x17x2944xi32, #tpu.memory_space<hbm>> -> memref<1x1x2944xi32, #tpu.memory_space<hbm>>
        %dma_wait3A_19 = tpu.memref_squeeze %dma_wait3A_18 : memref<1x1x2944xi32, #tpu.memory_space<hbm>> -> memref<2944xi32, #tpu.memory_space<hbm>>
        tpu.wait_dma2 semaphore(%run_scoped3A : memref<!tpu.dma_semaphore, #tpu.memory_space<semaphore_mem>>) src(%dma_wait3A_19 : memref<2944xi32, #tpu.memory_space<hbm>>) dst(%arg7 : memref<2944xi32, #tpu.memory_space<vmem>>)
        tpu.yield
      }) : () -> ()
      "tpu.region"() ({
        %run_scoped3A = tpu.sem_alloc : memref<!tpu.dma_semaphore, #tpu.memory_space<semaphore_mem>>
        %dma_start3A = arith.constant 0 : i32
        %dma_start3A_10 = tpu.memref_slice %arg6[%dma_start3A] : memref<100352xf32, #tpu.memory_space<vmem_shared>> -> memref<100352xf32, #tpu.memory_space<vmem_shared>>
        tpu.enqueue_indirect_dma source(%arg8 : memref<2944xf32, #tpu.memory_space<vmem>>) target(%dma_start3A_10 : memref<100352xf32, #tpu.memory_space<vmem_shared>>) offsets(%arg7 : memref<2944xi32, #tpu.memory_space<vmem>>) semaphore(%run_scoped3A : memref<!tpu.dma_semaphore, #tpu.memory_space<semaphore_mem>>) {add = true}
        %dma_wait3A = arith.constant 0 : i32
        %dma_wait3A_11 = tpu.memref_slice %arg6[%dma_wait3A] : memref<100352xf32, #tpu.memory_space<vmem_shared>> -> memref<100352xf32, #tpu.memory_space<vmem_shared>>
        tpu.wait_indirect_dma semaphore(%run_scoped3A : memref<!tpu.dma_semaphore, #tpu.memory_space<semaphore_mem>>) src(%arg8 : memref<2944xf32, #tpu.memory_space<vmem>>) dst(%dma_wait3A_11 : memref<100352xf32, #tpu.memory_space<vmem_shared>>)
        tpu.yield
      }) : () -> ()
    }
    %scan3A_7 = arith.constant 17 : i32
    %barrier3A_8 = arith.constant 0 : index
    tpu.barrier barrier_id(%barrier3A_8)
    "tpu.region"() ({
      %run_scoped3A = tpu.sem_alloc : memref<!tpu.dma_semaphore, #tpu.memory_space<semaphore_mem>>
      %dma_start3A = tpu.memref_slice %arg5[%arg0, %mul3A_2] : memref<2x100352xf32, #tpu.memory_space<hbm>> -> memref<1x6272xf32, #tpu.memory_space<hbm>>
      %dma_start3A_9 = tpu.memref_squeeze %dma_start3A : memref<1x6272xf32, #tpu.memory_space<hbm>> -> memref<6272xf32, #tpu.memory_space<hbm>>
      %dma_start3A_10 = tpu.memref_slice %arg6[%mul3A_2] : memref<100352xf32, #tpu.memory_space<vmem_shared>> -> memref<6272xf32, #tpu.memory_space<vmem_shared>>
      tpu.enqueue_dma source(%dma_start3A_10 : memref<6272xf32, #tpu.memory_space<vmem_shared>>) target(%dma_start3A_9 : memref<6272xf32, #tpu.memory_space<hbm>>) target_semaphore(%run_scoped3A : memref<!tpu.dma_semaphore, #tpu.memory_space<semaphore_mem>>)
      %dma_wait3A = tpu.memref_slice %arg5[%arg0, %mul3A_2] : memref<2x100352xf32, #tpu.memory_space<hbm>> -> memref<1x6272xf32, #tpu.memory_space<hbm>>
      %dma_wait3A_11 = tpu.memref_squeeze %dma_wait3A : memref<1x6272xf32, #tpu.memory_space<hbm>> -> memref<6272xf32, #tpu.memory_space<hbm>>
      %dma_wait3A_12 = tpu.memref_slice %arg6[%mul3A_2] : memref<100352xf32, #tpu.memory_space<vmem_shared>> -> memref<6272xf32, #tpu.memory_space<vmem_shared>>
      tpu.wait_dma2 semaphore(%run_scoped3A : memref<!tpu.dma_semaphore, #tpu.memory_space<semaphore_mem>>) src(%dma_wait3A_12 : memref<6272xf32, #tpu.memory_space<vmem_shared>>) dst(%dma_wait3A_11 : memref<6272xf32, #tpu.memory_space<hbm>>)
      tpu.yield
    }) : () -> ()
    return
  }
}

#map = affine_map<(d0, d1) -> (0, 0, 0)>
#map1 = affine_map<(d0, d1) -> (0, 0)>
#map2 = affine_map<(d0, d1) -> (0)>
module attributes {stable_mosaic.version = 14 : i64} {
  func.func @edge_kernel(%arg0: i32, %arg1: i32, %arg2: memref<32x17x2944xi32, #tpu.memory_space<hbm>>, %arg3: memref<32x17x2944xi32, #tpu.memory_space<hbm>>, %arg4: memref<2x100352xf32, #tpu.memory_space<hbm>>, %arg5: memref<4x100352xf32, #tpu.memory_space<hbm>>, %arg6: memref<100352xf32, #tpu.memory_space<hbm>>, %arg7: memref<2x4x100352xf32, #tpu.memory_space<hbm>>, %arg8: memref<100352xf32, #tpu.memory_space<vmem_shared>>, %arg9: memref<100352xf32, #tpu.memory_space<vmem_shared>>, %arg10: memref<100352xf32, #tpu.memory_space<vmem_shared>>, %arg11: memref<100352xf32, #tpu.memory_space<vmem_shared>>, %arg12: memref<100352xf32, #tpu.memory_space<vmem_shared>>, %arg13: memref<100352xf32, #tpu.memory_space<vmem_shared>>, %arg14: memref<100352xf32, #tpu.memory_space<vmem_shared>>, %arg15: memref<100352xf32, #tpu.memory_space<vmem_shared>>, %arg16: memref<2944xi32, #tpu.memory_space<vmem>>, %arg17: memref<2944xi32, #tpu.memory_space<vmem>>, %arg18: memref<2944xf32, #tpu.memory_space<vmem>>, %arg19: memref<2944xf32, #tpu.memory_space<vmem>>, %arg20: memref<2944xf32, #tpu.memory_space<vmem>>, %arg21: memref<2944xf32, #tpu.memory_space<vmem>>, %arg22: memref<6272xf32, #tpu.memory_space<vmem>>, %arg23: memref<6272xf32, #tpu.memory_space<vmem>>, %arg24: memref<!tpu.dma_semaphore, #tpu.memory_space<semaphore_mem>>, %arg25: memref<!tpu.dma_semaphore, #tpu.memory_space<semaphore_mem>>, %arg26: memref<!tpu.dma_semaphore, #tpu.memory_space<semaphore_mem>>, %arg27: memref<!tpu.dma_semaphore, #tpu.memory_space<semaphore_mem>>, %arg28: memref<!tpu.dma_semaphore, #tpu.memory_space<semaphore_mem>>, %arg29: memref<!tpu.dma_semaphore, #tpu.memory_space<semaphore_mem>>, %arg30: memref<!tpu.dma_semaphore, #tpu.memory_space<semaphore_mem>>, %arg31: memref<!tpu.dma_semaphore, #tpu.memory_space<semaphore_mem>>) attributes {dimension_semantics = [#tpu.dimension_semantics<core_parallel>, #tpu.dimension_semantics<subcore_parallel>], iteration_bounds = array<i64: 2, 16>, scalar_prefetch = 0 : i64, scratch_operands = 24 : i64, tpu.core_type = #tpu.core_type<sc_vector_subcore>, window_params = [{transform_indices = #map}, {transform_indices = #map}, {transform_indices = #map1}, {transform_indices = #map1}, {transform_indices = #map2}, {transform_indices = #map}]} {
    %mul3A = arith.constant 16 : i32
    %mul3A_0 = arith.muli %arg0, %mul3A : i32
    %add3A = arith.addi %mul3A_0, %arg1 : i32
    %mul3A_1 = arith.constant 6272 : i32
    %mul3A_2 = arith.muli %arg1, %mul3A_1 : i32
    "tpu.region"() ({
      %run_scoped3A_48 = tpu.sem_alloc : memref<!tpu.dma_semaphore, #tpu.memory_space<semaphore_mem>>
      %dma_start3A = tpu.memref_slice %arg8[%mul3A_2] : memref<100352xf32, #tpu.memory_space<vmem_shared>> -> memref<6272xf32, #tpu.memory_space<vmem_shared>>
      %dma_start3A_49 = tpu.memref_slice %arg6[%mul3A_2] : memref<100352xf32, #tpu.memory_space<hbm>> -> memref<6272xf32, #tpu.memory_space<hbm>>
      tpu.enqueue_dma source(%dma_start3A_49 : memref<6272xf32, #tpu.memory_space<hbm>>) target(%dma_start3A : memref<6272xf32, #tpu.memory_space<vmem_shared>>) target_semaphore(%run_scoped3A_48 : memref<!tpu.dma_semaphore, #tpu.memory_space<semaphore_mem>>)
      %dma_wait3A = tpu.memref_slice %arg8[%mul3A_2] : memref<100352xf32, #tpu.memory_space<vmem_shared>> -> memref<6272xf32, #tpu.memory_space<vmem_shared>>
      %dma_wait3A_50 = tpu.memref_slice %arg6[%mul3A_2] : memref<100352xf32, #tpu.memory_space<hbm>> -> memref<6272xf32, #tpu.memory_space<hbm>>
      tpu.wait_dma2 semaphore(%run_scoped3A_48 : memref<!tpu.dma_semaphore, #tpu.memory_space<semaphore_mem>>) src(%dma_wait3A_50 : memref<6272xf32, #tpu.memory_space<hbm>>) dst(%dma_wait3A : memref<6272xf32, #tpu.memory_space<vmem_shared>>)
      tpu.yield
    }) : () -> ()
    "tpu.region"() ({
      %run_scoped3A_48 = tpu.sem_alloc : memref<!tpu.dma_semaphore, #tpu.memory_space<semaphore_mem>>
      %dma_start3A = tpu.memref_slice %arg9[%mul3A_2] : memref<100352xf32, #tpu.memory_space<vmem_shared>> -> memref<6272xf32, #tpu.memory_space<vmem_shared>>
      %dma_start3A_49 = tpu.memref_slice %arg6[%mul3A_2] : memref<100352xf32, #tpu.memory_space<hbm>> -> memref<6272xf32, #tpu.memory_space<hbm>>
      tpu.enqueue_dma source(%dma_start3A_49 : memref<6272xf32, #tpu.memory_space<hbm>>) target(%dma_start3A : memref<6272xf32, #tpu.memory_space<vmem_shared>>) target_semaphore(%run_scoped3A_48 : memref<!tpu.dma_semaphore, #tpu.memory_space<semaphore_mem>>)
      %dma_wait3A = tpu.memref_slice %arg9[%mul3A_2] : memref<100352xf32, #tpu.memory_space<vmem_shared>> -> memref<6272xf32, #tpu.memory_space<vmem_shared>>
      %dma_wait3A_50 = tpu.memref_slice %arg6[%mul3A_2] : memref<100352xf32, #tpu.memory_space<hbm>> -> memref<6272xf32, #tpu.memory_space<hbm>>
      tpu.wait_dma2 semaphore(%run_scoped3A_48 : memref<!tpu.dma_semaphore, #tpu.memory_space<semaphore_mem>>) src(%dma_wait3A_50 : memref<6272xf32, #tpu.memory_space<hbm>>) dst(%dma_wait3A : memref<6272xf32, #tpu.memory_space<vmem_shared>>)
      tpu.yield
    }) : () -> ()
    "tpu.region"() ({
      %run_scoped3A_48 = tpu.sem_alloc : memref<!tpu.dma_semaphore, #tpu.memory_space<semaphore_mem>>
      %dma_start3A = tpu.memref_slice %arg10[%mul3A_2] : memref<100352xf32, #tpu.memory_space<vmem_shared>> -> memref<6272xf32, #tpu.memory_space<vmem_shared>>
      %dma_start3A_49 = tpu.memref_slice %arg6[%mul3A_2] : memref<100352xf32, #tpu.memory_space<hbm>> -> memref<6272xf32, #tpu.memory_space<hbm>>
      tpu.enqueue_dma source(%dma_start3A_49 : memref<6272xf32, #tpu.memory_space<hbm>>) target(%dma_start3A : memref<6272xf32, #tpu.memory_space<vmem_shared>>) target_semaphore(%run_scoped3A_48 : memref<!tpu.dma_semaphore, #tpu.memory_space<semaphore_mem>>)
      %dma_wait3A = tpu.memref_slice %arg10[%mul3A_2] : memref<100352xf32, #tpu.memory_space<vmem_shared>> -> memref<6272xf32, #tpu.memory_space<vmem_shared>>
      %dma_wait3A_50 = tpu.memref_slice %arg6[%mul3A_2] : memref<100352xf32, #tpu.memory_space<hbm>> -> memref<6272xf32, #tpu.memory_space<hbm>>
      tpu.wait_dma2 semaphore(%run_scoped3A_48 : memref<!tpu.dma_semaphore, #tpu.memory_space<semaphore_mem>>) src(%dma_wait3A_50 : memref<6272xf32, #tpu.memory_space<hbm>>) dst(%dma_wait3A : memref<6272xf32, #tpu.memory_space<vmem_shared>>)
      tpu.yield
    }) : () -> ()
    "tpu.region"() ({
      %run_scoped3A_48 = tpu.sem_alloc : memref<!tpu.dma_semaphore, #tpu.memory_space<semaphore_mem>>
      %dma_start3A = tpu.memref_slice %arg11[%mul3A_2] : memref<100352xf32, #tpu.memory_space<vmem_shared>> -> memref<6272xf32, #tpu.memory_space<vmem_shared>>
      %dma_start3A_49 = tpu.memref_slice %arg6[%mul3A_2] : memref<100352xf32, #tpu.memory_space<hbm>> -> memref<6272xf32, #tpu.memory_space<hbm>>
      tpu.enqueue_dma source(%dma_start3A_49 : memref<6272xf32, #tpu.memory_space<hbm>>) target(%dma_start3A : memref<6272xf32, #tpu.memory_space<vmem_shared>>) target_semaphore(%run_scoped3A_48 : memref<!tpu.dma_semaphore, #tpu.memory_space<semaphore_mem>>)
      %dma_wait3A = tpu.memref_slice %arg11[%mul3A_2] : memref<100352xf32, #tpu.memory_space<vmem_shared>> -> memref<6272xf32, #tpu.memory_space<vmem_shared>>
      %dma_wait3A_50 = tpu.memref_slice %arg6[%mul3A_2] : memref<100352xf32, #tpu.memory_space<hbm>> -> memref<6272xf32, #tpu.memory_space<hbm>>
      tpu.wait_dma2 semaphore(%run_scoped3A_48 : memref<!tpu.dma_semaphore, #tpu.memory_space<semaphore_mem>>) src(%dma_wait3A_50 : memref<6272xf32, #tpu.memory_space<hbm>>) dst(%dma_wait3A : memref<6272xf32, #tpu.memory_space<vmem_shared>>)
      tpu.yield
    }) : () -> ()
    %run_scoped3A = arith.constant 0 : i32
    "tpu.region"() ({
      %run_scoped3A_48 = tpu.sem_alloc : memref<!tpu.dma_semaphore, #tpu.memory_space<semaphore_mem>>
      %dma_start3A = tpu.memref_slice %arg4[%run_scoped3A, %mul3A_2] : memref<2x100352xf32, #tpu.memory_space<hbm>> -> memref<1x6272xf32, #tpu.memory_space<hbm>>
      %dma_start3A_49 = tpu.memref_squeeze %dma_start3A : memref<1x6272xf32, #tpu.memory_space<hbm>> -> memref<6272xf32, #tpu.memory_space<hbm>>
      %dma_start3A_50 = tpu.memref_slice %arg4[%run_scoped3A, %mul3A_2] : memref<2x100352xf32, #tpu.memory_space<hbm>> -> memref<1x6272xf32, #tpu.memory_space<hbm>>
      %dma_start3A_51 = tpu.memref_squeeze %dma_start3A_50 : memref<1x6272xf32, #tpu.memory_space<hbm>> -> memref<6272xf32, #tpu.memory_space<hbm>>
      tpu.enqueue_dma source(%dma_start3A_51 : memref<6272xf32, #tpu.memory_space<hbm>>) target(%arg22 : memref<6272xf32, #tpu.memory_space<vmem>>) target_semaphore(%run_scoped3A_48 : memref<!tpu.dma_semaphore, #tpu.memory_space<semaphore_mem>>)
      %dma_wait3A = tpu.memref_slice %arg4[%run_scoped3A, %mul3A_2] : memref<2x100352xf32, #tpu.memory_space<hbm>> -> memref<1x6272xf32, #tpu.memory_space<hbm>>
      %dma_wait3A_52 = tpu.memref_squeeze %dma_wait3A : memref<1x6272xf32, #tpu.memory_space<hbm>> -> memref<6272xf32, #tpu.memory_space<hbm>>
      %dma_wait3A_53 = tpu.memref_slice %arg4[%run_scoped3A, %mul3A_2] : memref<2x100352xf32, #tpu.memory_space<hbm>> -> memref<1x6272xf32, #tpu.memory_space<hbm>>
      %dma_wait3A_54 = tpu.memref_squeeze %dma_wait3A_53 : memref<1x6272xf32, #tpu.memory_space<hbm>> -> memref<6272xf32, #tpu.memory_space<hbm>>
      tpu.wait_dma2 semaphore(%run_scoped3A_48 : memref<!tpu.dma_semaphore, #tpu.memory_space<semaphore_mem>>) src(%dma_wait3A_54 : memref<6272xf32, #tpu.memory_space<hbm>>) dst(%arg22 : memref<6272xf32, #tpu.memory_space<vmem>>)
      tpu.yield
    }) : () -> ()
    %run_scoped3A_3 = arith.constant 1 : i32
    "tpu.region"() ({
      %run_scoped3A_48 = tpu.sem_alloc : memref<!tpu.dma_semaphore, #tpu.memory_space<semaphore_mem>>
      %dma_start3A = tpu.memref_slice %arg4[%run_scoped3A_3, %mul3A_2] : memref<2x100352xf32, #tpu.memory_space<hbm>> -> memref<1x6272xf32, #tpu.memory_space<hbm>>
      %dma_start3A_49 = tpu.memref_squeeze %dma_start3A : memref<1x6272xf32, #tpu.memory_space<hbm>> -> memref<6272xf32, #tpu.memory_space<hbm>>
      %dma_start3A_50 = tpu.memref_slice %arg4[%run_scoped3A_3, %mul3A_2] : memref<2x100352xf32, #tpu.memory_space<hbm>> -> memref<1x6272xf32, #tpu.memory_space<hbm>>
      %dma_start3A_51 = tpu.memref_squeeze %dma_start3A_50 : memref<1x6272xf32, #tpu.memory_space<hbm>> -> memref<6272xf32, #tpu.memory_space<hbm>>
      tpu.enqueue_dma source(%dma_start3A_51 : memref<6272xf32, #tpu.memory_space<hbm>>) target(%arg23 : memref<6272xf32, #tpu.memory_space<vmem>>) target_semaphore(%run_scoped3A_48 : memref<!tpu.dma_semaphore, #tpu.memory_space<semaphore_mem>>)
      %dma_wait3A = tpu.memref_slice %arg4[%run_scoped3A_3, %mul3A_2] : memref<2x100352xf32, #tpu.memory_space<hbm>> -> memref<1x6272xf32, #tpu.memory_space<hbm>>
      %dma_wait3A_52 = tpu.memref_squeeze %dma_wait3A : memref<1x6272xf32, #tpu.memory_space<hbm>> -> memref<6272xf32, #tpu.memory_space<hbm>>
      %dma_wait3A_53 = tpu.memref_slice %arg4[%run_scoped3A_3, %mul3A_2] : memref<2x100352xf32, #tpu.memory_space<hbm>> -> memref<1x6272xf32, #tpu.memory_space<hbm>>
      %dma_wait3A_54 = tpu.memref_squeeze %dma_wait3A_53 : memref<1x6272xf32, #tpu.memory_space<hbm>> -> memref<6272xf32, #tpu.memory_space<hbm>>
      tpu.wait_dma2 semaphore(%run_scoped3A_48 : memref<!tpu.dma_semaphore, #tpu.memory_space<semaphore_mem>>) src(%dma_wait3A_54 : memref<6272xf32, #tpu.memory_space<hbm>>) dst(%arg23 : memref<6272xf32, #tpu.memory_space<vmem>>)
      tpu.yield
    }) : () -> ()
    %scan3A = arith.constant 0 : i32
    %scan3A_4 = arith.constant 0 : i32
    %scan3A_5 = arith.constant 392 : i32
    %scan3A_6 = arith.addi %scan3A_4, %scan3A_5 : i32
    %scan3A_7 = arith.constant 1 : i32
    scf.for %scan3A_48 = %scan3A_4 to %scan3A_6 step %scan3A_7  : i32 {
      %mul3A_49 = arith.constant 16 : i32
      %mul3A_50 = arith.muli %scan3A_48, %mul3A_49 : i32
      %get3A = arith.index_cast %mul3A_50 : i32 to index
      %get3A_51 = tpu.vector_load %arg22[%get3A] {strides = array<i32>} : memref<6272xf32, #tpu.memory_space<vmem>>, vector<16xf32>,
      %get3A_52 = arith.index_cast %mul3A_50 : i32 to index
      %get3A_53 = tpu.vector_load %arg23[%get3A_52] {strides = array<i32>} : memref<6272xf32, #tpu.memory_space<vmem>>, vector<16xf32>,
      %add3A_54 = arith.addf %get3A_51, %get3A_53 : vector<16xf32>
      %add3A_55 = arith.constant 1.000000e+00 : f32
      %add3A_56 = vector.broadcast %add3A_55 : f32 to vector<16xf32>
      %add3A_57 = arith.addf %add3A_54, %add3A_56 : vector<16xf32>
      %bitcast3A = vector.bitcast %add3A_57 : vector<16xf32> to vector<16xi32>
      %shift_right_logical3A = arith.constant 1 : i32
      %shift_right_logical3A_58 = vector.broadcast %shift_right_logical3A : i32 to vector<16xi32>
      %shift_right_logical3A_59 = arith.shrui %bitcast3A, %shift_right_logical3A_58 : vector<16xi32>
      %sub3A = arith.constant 1597463007 : i32
      %sub3A_60 = vector.broadcast %sub3A : i32 to vector<16xi32>
      %sub3A_61 = arith.subi %sub3A_60, %shift_right_logical3A_59 : vector<16xi32>
      %bitcast3A_62 = vector.bitcast %sub3A_61 : vector<16xi32> to vector<16xf32>
      %mul3A_63 = arith.constant 5.000000e-01 : f32
      %mul3A_64 = vector.broadcast %mul3A_63 : f32 to vector<16xf32>
      %mul3A_65 = arith.mulf %mul3A_64, %add3A_57 : vector<16xf32>
      %mul3A_66 = arith.mulf %mul3A_65, %bitcast3A_62 : vector<16xf32>
      %mul3A_67 = arith.mulf %mul3A_66, %bitcast3A_62 : vector<16xf32>
      %sub3A_68 = arith.constant 1.500000e+00 : f32
      %sub3A_69 = vector.broadcast %sub3A_68 : f32 to vector<16xf32>
      %sub3A_70 = arith.subf %sub3A_69, %mul3A_67 : vector<16xf32>
      %mul3A_71 = arith.mulf %bitcast3A_62, %sub3A_70 : vector<16xf32>
      %mul3A_72 = arith.constant 5.000000e-01 : f32
      %mul3A_73 = vector.broadcast %mul3A_72 : f32 to vector<16xf32>
      %mul3A_74 = arith.mulf %mul3A_73, %add3A_57 : vector<16xf32>
      %mul3A_75 = arith.mulf %mul3A_74, %mul3A_71 : vector<16xf32>
      %mul3A_76 = arith.mulf %mul3A_75, %mul3A_71 : vector<16xf32>
      %sub3A_77 = arith.constant 1.500000e+00 : f32
      %sub3A_78 = vector.broadcast %sub3A_77 : f32 to vector<16xf32>
      %sub3A_79 = arith.subf %sub3A_78, %mul3A_76 : vector<16xf32>
      %mul3A_80 = arith.mulf %mul3A_71, %sub3A_79 : vector<16xf32>
      %mul3A_81 = arith.constant 5.000000e-01 : f32
      %mul3A_82 = vector.broadcast %mul3A_81 : f32 to vector<16xf32>
      %mul3A_83 = arith.mulf %mul3A_82, %add3A_57 : vector<16xf32>
      %mul3A_84 = arith.mulf %mul3A_83, %mul3A_80 : vector<16xf32>
      %mul3A_85 = arith.mulf %mul3A_84, %mul3A_80 : vector<16xf32>
      %sub3A_86 = arith.constant 1.500000e+00 : f32
      %sub3A_87 = vector.broadcast %sub3A_86 : f32 to vector<16xf32>
      %sub3A_88 = arith.subf %sub3A_87, %mul3A_85 : vector<16xf32>
      %mul3A_89 = arith.mulf %mul3A_80, %sub3A_88 : vector<16xf32>
      %swap3A = arith.index_cast %mul3A_50 : i32 to index
      %swap3A_90 = tpu.vector_load %arg22[%swap3A] {strides = array<i32>} : memref<6272xf32, #tpu.memory_space<vmem>>, vector<16xf32>,
      tpu.vector_store %arg22[%swap3A], %mul3A_89 {strides = array<i32>} : memref<6272xf32, #tpu.memory_space<vmem>>, vector<16xf32>,
    }
    %scan3A_8 = arith.constant 392 : i32
    %run_scoped3A_9 = arith.constant 0 : i32
    "tpu.region"() ({
      %run_scoped3A_48 = tpu.sem_alloc : memref<!tpu.dma_semaphore, #tpu.memory_space<semaphore_mem>>
      %dma_start3A = tpu.memref_slice %arg5[%run_scoped3A_9, %mul3A_2] : memref<4x100352xf32, #tpu.memory_space<hbm>> -> memref<1x6272xf32, #tpu.memory_space<hbm>>
      %dma_start3A_49 = tpu.memref_squeeze %dma_start3A : memref<1x6272xf32, #tpu.memory_space<hbm>> -> memref<6272xf32, #tpu.memory_space<hbm>>
      %dma_start3A_50 = tpu.memref_slice %arg5[%run_scoped3A_9, %mul3A_2] : memref<4x100352xf32, #tpu.memory_space<hbm>> -> memref<1x6272xf32, #tpu.memory_space<hbm>>
      %dma_start3A_51 = tpu.memref_squeeze %dma_start3A_50 : memref<1x6272xf32, #tpu.memory_space<hbm>> -> memref<6272xf32, #tpu.memory_space<hbm>>
      tpu.enqueue_dma source(%dma_start3A_51 : memref<6272xf32, #tpu.memory_space<hbm>>) target(%arg23 : memref<6272xf32, #tpu.memory_space<vmem>>) target_semaphore(%run_scoped3A_48 : memref<!tpu.dma_semaphore, #tpu.memory_space<semaphore_mem>>)
      %dma_wait3A = tpu.memref_slice %arg5[%run_scoped3A_9, %mul3A_2] : memref<4x100352xf32, #tpu.memory_space<hbm>> -> memref<1x6272xf32, #tpu.memory_space<hbm>>
      %dma_wait3A_52 = tpu.memref_squeeze %dma_wait3A : memref<1x6272xf32, #tpu.memory_space<hbm>> -> memref<6272xf32, #tpu.memory_space<hbm>>
      %dma_wait3A_53 = tpu.memref_slice %arg5[%run_scoped3A_9, %mul3A_2] : memref<4x100352xf32, #tpu.memory_space<hbm>> -> memref<1x6272xf32, #tpu.memory_space<hbm>>
      %dma_wait3A_54 = tpu.memref_squeeze %dma_wait3A_53 : memref<1x6272xf32, #tpu.memory_space<hbm>> -> memref<6272xf32, #tpu.memory_space<hbm>>
      tpu.wait_dma2 semaphore(%run_scoped3A_48 : memref<!tpu.dma_semaphore, #tpu.memory_space<semaphore_mem>>) src(%dma_wait3A_54 : memref<6272xf32, #tpu.memory_space<hbm>>) dst(%arg23 : memref<6272xf32, #tpu.memory_space<vmem>>)
      tpu.yield
    }) : () -> ()
    %scan3A_10 = arith.constant 0 : i32
    %scan3A_11 = arith.constant 0 : i32
    %scan3A_12 = arith.constant 392 : i32
    %scan3A_13 = arith.addi %scan3A_11, %scan3A_12 : i32
    %scan3A_14 = arith.constant 1 : i32
    scf.for %scan3A_48 = %scan3A_11 to %scan3A_13 step %scan3A_14  : i32 {
      %mul3A_49 = arith.constant 16 : i32
      %mul3A_50 = arith.muli %scan3A_48, %mul3A_49 : i32
      %get3A = arith.index_cast %mul3A_50 : i32 to index
      %get3A_51 = tpu.vector_load %arg23[%get3A] {strides = array<i32>} : memref<6272xf32, #tpu.memory_space<vmem>>, vector<16xf32>,
      %get3A_52 = arith.index_cast %mul3A_50 : i32 to index
      %get3A_53 = tpu.vector_load %arg22[%get3A_52] {strides = array<i32>} : memref<6272xf32, #tpu.memory_space<vmem>>, vector<16xf32>,
      %mul3A_54 = arith.mulf %get3A_51, %get3A_53 : vector<16xf32>
      %swap3A = arith.index_cast %mul3A_50 : i32 to index
      %swap3A_55 = tpu.vector_load %arg23[%swap3A] {strides = array<i32>} : memref<6272xf32, #tpu.memory_space<vmem>>, vector<16xf32>,
      tpu.vector_store %arg23[%swap3A], %mul3A_54 {strides = array<i32>} : memref<6272xf32, #tpu.memory_space<vmem>>, vector<16xf32>,
    }
    %scan3A_15 = arith.constant 392 : i32
    "tpu.region"() ({
      %run_scoped3A_48 = tpu.sem_alloc : memref<!tpu.dma_semaphore, #tpu.memory_space<semaphore_mem>>
      %dma_start3A = tpu.memref_slice %arg12[%mul3A_2] : memref<100352xf32, #tpu.memory_space<vmem_shared>> -> memref<6272xf32, #tpu.memory_space<vmem_shared>>
      %dma_start3A_49 = tpu.memref_slice %arg12[%mul3A_2] : memref<100352xf32, #tpu.memory_space<vmem_shared>> -> memref<6272xf32, #tpu.memory_space<vmem_shared>>
      tpu.enqueue_dma source(%arg23 : memref<6272xf32, #tpu.memory_space<vmem>>) target(%dma_start3A_49 : memref<6272xf32, #tpu.memory_space<vmem_shared>>) target_semaphore(%run_scoped3A_48 : memref<!tpu.dma_semaphore, #tpu.memory_space<semaphore_mem>>)
      %dma_wait3A = tpu.memref_slice %arg12[%mul3A_2] : memref<100352xf32, #tpu.memory_space<vmem_shared>> -> memref<6272xf32, #tpu.memory_space<vmem_shared>>
      %dma_wait3A_50 = tpu.memref_slice %arg12[%mul3A_2] : memref<100352xf32, #tpu.memory_space<vmem_shared>> -> memref<6272xf32, #tpu.memory_space<vmem_shared>>
      tpu.wait_dma2 semaphore(%run_scoped3A_48 : memref<!tpu.dma_semaphore, #tpu.memory_space<semaphore_mem>>) src(%arg23 : memref<6272xf32, #tpu.memory_space<vmem>>) dst(%dma_wait3A_50 : memref<6272xf32, #tpu.memory_space<vmem_shared>>)
      tpu.yield
    }) : () -> ()
    %run_scoped3A_16 = arith.constant 1 : i32
    "tpu.region"() ({
      %run_scoped3A_48 = tpu.sem_alloc : memref<!tpu.dma_semaphore, #tpu.memory_space<semaphore_mem>>
      %dma_start3A = tpu.memref_slice %arg5[%run_scoped3A_16, %mul3A_2] : memref<4x100352xf32, #tpu.memory_space<hbm>> -> memref<1x6272xf32, #tpu.memory_space<hbm>>
      %dma_start3A_49 = tpu.memref_squeeze %dma_start3A : memref<1x6272xf32, #tpu.memory_space<hbm>> -> memref<6272xf32, #tpu.memory_space<hbm>>
      %dma_start3A_50 = tpu.memref_slice %arg5[%run_scoped3A_16, %mul3A_2] : memref<4x100352xf32, #tpu.memory_space<hbm>> -> memref<1x6272xf32, #tpu.memory_space<hbm>>
      %dma_start3A_51 = tpu.memref_squeeze %dma_start3A_50 : memref<1x6272xf32, #tpu.memory_space<hbm>> -> memref<6272xf32, #tpu.memory_space<hbm>>
      tpu.enqueue_dma source(%dma_start3A_51 : memref<6272xf32, #tpu.memory_space<hbm>>) target(%arg23 : memref<6272xf32, #tpu.memory_space<vmem>>) target_semaphore(%run_scoped3A_48 : memref<!tpu.dma_semaphore, #tpu.memory_space<semaphore_mem>>)
      %dma_wait3A = tpu.memref_slice %arg5[%run_scoped3A_16, %mul3A_2] : memref<4x100352xf32, #tpu.memory_space<hbm>> -> memref<1x6272xf32, #tpu.memory_space<hbm>>
      %dma_wait3A_52 = tpu.memref_squeeze %dma_wait3A : memref<1x6272xf32, #tpu.memory_space<hbm>> -> memref<6272xf32, #tpu.memory_space<hbm>>
      %dma_wait3A_53 = tpu.memref_slice %arg5[%run_scoped3A_16, %mul3A_2] : memref<4x100352xf32, #tpu.memory_space<hbm>> -> memref<1x6272xf32, #tpu.memory_space<hbm>>
      %dma_wait3A_54 = tpu.memref_squeeze %dma_wait3A_53 : memref<1x6272xf32, #tpu.memory_space<hbm>> -> memref<6272xf32, #tpu.memory_space<hbm>>
      tpu.wait_dma2 semaphore(%run_scoped3A_48 : memref<!tpu.dma_semaphore, #tpu.memory_space<semaphore_mem>>) src(%dma_wait3A_54 : memref<6272xf32, #tpu.memory_space<hbm>>) dst(%arg23 : memref<6272xf32, #tpu.memory_space<vmem>>)
      tpu.yield
    }) : () -> ()
    %scan3A_17 = arith.constant 0 : i32
    %scan3A_18 = arith.constant 0 : i32
    %scan3A_19 = arith.constant 392 : i32
    %scan3A_20 = arith.addi %scan3A_18, %scan3A_19 : i32
    %scan3A_21 = arith.constant 1 : i32
    scf.for %scan3A_48 = %scan3A_18 to %scan3A_20 step %scan3A_21  : i32 {
      %mul3A_49 = arith.constant 16 : i32
      %mul3A_50 = arith.muli %scan3A_48, %mul3A_49 : i32
      %get3A = arith.index_cast %mul3A_50 : i32 to index
      %get3A_51 = tpu.vector_load %arg23[%get3A] {strides = array<i32>} : memref<6272xf32, #tpu.memory_space<vmem>>, vector<16xf32>,
      %get3A_52 = arith.index_cast %mul3A_50 : i32 to index
      %get3A_53 = tpu.vector_load %arg22[%get3A_52] {strides = array<i32>} : memref<6272xf32, #tpu.memory_space<vmem>>, vector<16xf32>,
      %mul3A_54 = arith.mulf %get3A_51, %get3A_53 : vector<16xf32>
      %swap3A = arith.index_cast %mul3A_50 : i32 to index
      %swap3A_55 = tpu.vector_load %arg23[%swap3A] {strides = array<i32>} : memref<6272xf32, #tpu.memory_space<vmem>>, vector<16xf32>,
      tpu.vector_store %arg23[%swap3A], %mul3A_54 {strides = array<i32>} : memref<6272xf32, #tpu.memory_space<vmem>>, vector<16xf32>,
    }
    %scan3A_22 = arith.constant 392 : i32
    "tpu.region"() ({
      %run_scoped3A_48 = tpu.sem_alloc : memref<!tpu.dma_semaphore, #tpu.memory_space<semaphore_mem>>
      %dma_start3A = tpu.memref_slice %arg13[%mul3A_2] : memref<100352xf32, #tpu.memory_space<vmem_shared>> -> memref<6272xf32, #tpu.memory_space<vmem_shared>>
      %dma_start3A_49 = tpu.memref_slice %arg13[%mul3A_2] : memref<100352xf32, #tpu.memory_space<vmem_shared>> -> memref<6272xf32, #tpu.memory_space<vmem_shared>>
      tpu.enqueue_dma source(%arg23 : memref<6272xf32, #tpu.memory_space<vmem>>) target(%dma_start3A_49 : memref<6272xf32, #tpu.memory_space<vmem_shared>>) target_semaphore(%run_scoped3A_48 : memref<!tpu.dma_semaphore, #tpu.memory_space<semaphore_mem>>)
      %dma_wait3A = tpu.memref_slice %arg13[%mul3A_2] : memref<100352xf32, #tpu.memory_space<vmem_shared>> -> memref<6272xf32, #tpu.memory_space<vmem_shared>>
      %dma_wait3A_50 = tpu.memref_slice %arg13[%mul3A_2] : memref<100352xf32, #tpu.memory_space<vmem_shared>> -> memref<6272xf32, #tpu.memory_space<vmem_shared>>
      tpu.wait_dma2 semaphore(%run_scoped3A_48 : memref<!tpu.dma_semaphore, #tpu.memory_space<semaphore_mem>>) src(%arg23 : memref<6272xf32, #tpu.memory_space<vmem>>) dst(%dma_wait3A_50 : memref<6272xf32, #tpu.memory_space<vmem_shared>>)
      tpu.yield
    }) : () -> ()
    %run_scoped3A_23 = arith.constant 2 : i32
    "tpu.region"() ({
      %run_scoped3A_48 = tpu.sem_alloc : memref<!tpu.dma_semaphore, #tpu.memory_space<semaphore_mem>>
      %dma_start3A = tpu.memref_slice %arg5[%run_scoped3A_23, %mul3A_2] : memref<4x100352xf32, #tpu.memory_space<hbm>> -> memref<1x6272xf32, #tpu.memory_space<hbm>>
      %dma_start3A_49 = tpu.memref_squeeze %dma_start3A : memref<1x6272xf32, #tpu.memory_space<hbm>> -> memref<6272xf32, #tpu.memory_space<hbm>>
      %dma_start3A_50 = tpu.memref_slice %arg5[%run_scoped3A_23, %mul3A_2] : memref<4x100352xf32, #tpu.memory_space<hbm>> -> memref<1x6272xf32, #tpu.memory_space<hbm>>
      %dma_start3A_51 = tpu.memref_squeeze %dma_start3A_50 : memref<1x6272xf32, #tpu.memory_space<hbm>> -> memref<6272xf32, #tpu.memory_space<hbm>>
      tpu.enqueue_dma source(%dma_start3A_51 : memref<6272xf32, #tpu.memory_space<hbm>>) target(%arg23 : memref<6272xf32, #tpu.memory_space<vmem>>) target_semaphore(%run_scoped3A_48 : memref<!tpu.dma_semaphore, #tpu.memory_space<semaphore_mem>>)
      %dma_wait3A = tpu.memref_slice %arg5[%run_scoped3A_23, %mul3A_2] : memref<4x100352xf32, #tpu.memory_space<hbm>> -> memref<1x6272xf32, #tpu.memory_space<hbm>>
      %dma_wait3A_52 = tpu.memref_squeeze %dma_wait3A : memref<1x6272xf32, #tpu.memory_space<hbm>> -> memref<6272xf32, #tpu.memory_space<hbm>>
      %dma_wait3A_53 = tpu.memref_slice %arg5[%run_scoped3A_23, %mul3A_2] : memref<4x100352xf32, #tpu.memory_space<hbm>> -> memref<1x6272xf32, #tpu.memory_space<hbm>>
      %dma_wait3A_54 = tpu.memref_squeeze %dma_wait3A_53 : memref<1x6272xf32, #tpu.memory_space<hbm>> -> memref<6272xf32, #tpu.memory_space<hbm>>
      tpu.wait_dma2 semaphore(%run_scoped3A_48 : memref<!tpu.dma_semaphore, #tpu.memory_space<semaphore_mem>>) src(%dma_wait3A_54 : memref<6272xf32, #tpu.memory_space<hbm>>) dst(%arg23 : memref<6272xf32, #tpu.memory_space<vmem>>)
      tpu.yield
    }) : () -> ()
    %scan3A_24 = arith.constant 0 : i32
    %scan3A_25 = arith.constant 0 : i32
    %scan3A_26 = arith.constant 392 : i32
    %scan3A_27 = arith.addi %scan3A_25, %scan3A_26 : i32
    %scan3A_28 = arith.constant 1 : i32
    scf.for %scan3A_48 = %scan3A_25 to %scan3A_27 step %scan3A_28  : i32 {
      %mul3A_49 = arith.constant 16 : i32
      %mul3A_50 = arith.muli %scan3A_48, %mul3A_49 : i32
      %get3A = arith.index_cast %mul3A_50 : i32 to index
      %get3A_51 = tpu.vector_load %arg23[%get3A] {strides = array<i32>} : memref<6272xf32, #tpu.memory_space<vmem>>, vector<16xf32>,
      %get3A_52 = arith.index_cast %mul3A_50 : i32 to index
      %get3A_53 = tpu.vector_load %arg22[%get3A_52] {strides = array<i32>} : memref<6272xf32, #tpu.memory_space<vmem>>, vector<16xf32>,
      %mul3A_54 = arith.mulf %get3A_51, %get3A_53 : vector<16xf32>
      %swap3A = arith.index_cast %mul3A_50 : i32 to index
      %swap3A_55 = tpu.vector_load %arg23[%swap3A] {strides = array<i32>} : memref<6272xf32, #tpu.memory_space<vmem>>, vector<16xf32>,
      tpu.vector_store %arg23[%swap3A], %mul3A_54 {strides = array<i32>} : memref<6272xf32, #tpu.memory_space<vmem>>, vector<16xf32>,
    }
    %scan3A_29 = arith.constant 392 : i32
    "tpu.region"() ({
      %run_scoped3A_48 = tpu.sem_alloc : memref<!tpu.dma_semaphore, #tpu.memory_space<semaphore_mem>>
      %dma_start3A = tpu.memref_slice %arg14[%mul3A_2] : memref<100352xf32, #tpu.memory_space<vmem_shared>> -> memref<6272xf32, #tpu.memory_space<vmem_shared>>
      %dma_start3A_49 = tpu.memref_slice %arg14[%mul3A_2] : memref<100352xf32, #tpu.memory_space<vmem_shared>> -> memref<6272xf32, #tpu.memory_space<vmem_shared>>
      tpu.enqueue_dma source(%arg23 : memref<6272xf32, #tpu.memory_space<vmem>>) target(%dma_start3A_49 : memref<6272xf32, #tpu.memory_space<vmem_shared>>) target_semaphore(%run_scoped3A_48 : memref<!tpu.dma_semaphore, #tpu.memory_space<semaphore_mem>>)
      %dma_wait3A = tpu.memref_slice %arg14[%mul3A_2] : memref<100352xf32, #tpu.memory_space<vmem_shared>> -> memref<6272xf32, #tpu.memory_space<vmem_shared>>
      %dma_wait3A_50 = tpu.memref_slice %arg14[%mul3A_2] : memref<100352xf32, #tpu.memory_space<vmem_shared>> -> memref<6272xf32, #tpu.memory_space<vmem_shared>>
      tpu.wait_dma2 semaphore(%run_scoped3A_48 : memref<!tpu.dma_semaphore, #tpu.memory_space<semaphore_mem>>) src(%arg23 : memref<6272xf32, #tpu.memory_space<vmem>>) dst(%dma_wait3A_50 : memref<6272xf32, #tpu.memory_space<vmem_shared>>)
      tpu.yield
    }) : () -> ()
    %run_scoped3A_30 = arith.constant 3 : i32
    "tpu.region"() ({
      %run_scoped3A_48 = tpu.sem_alloc : memref<!tpu.dma_semaphore, #tpu.memory_space<semaphore_mem>>
      %dma_start3A = tpu.memref_slice %arg5[%run_scoped3A_30, %mul3A_2] : memref<4x100352xf32, #tpu.memory_space<hbm>> -> memref<1x6272xf32, #tpu.memory_space<hbm>>
      %dma_start3A_49 = tpu.memref_squeeze %dma_start3A : memref<1x6272xf32, #tpu.memory_space<hbm>> -> memref<6272xf32, #tpu.memory_space<hbm>>
      %dma_start3A_50 = tpu.memref_slice %arg5[%run_scoped3A_30, %mul3A_2] : memref<4x100352xf32, #tpu.memory_space<hbm>> -> memref<1x6272xf32, #tpu.memory_space<hbm>>
      %dma_start3A_51 = tpu.memref_squeeze %dma_start3A_50 : memref<1x6272xf32, #tpu.memory_space<hbm>> -> memref<6272xf32, #tpu.memory_space<hbm>>
      tpu.enqueue_dma source(%dma_start3A_51 : memref<6272xf32, #tpu.memory_space<hbm>>) target(%arg23 : memref<6272xf32, #tpu.memory_space<vmem>>) target_semaphore(%run_scoped3A_48 : memref<!tpu.dma_semaphore, #tpu.memory_space<semaphore_mem>>)
      %dma_wait3A = tpu.memref_slice %arg5[%run_scoped3A_30, %mul3A_2] : memref<4x100352xf32, #tpu.memory_space<hbm>> -> memref<1x6272xf32, #tpu.memory_space<hbm>>
      %dma_wait3A_52 = tpu.memref_squeeze %dma_wait3A : memref<1x6272xf32, #tpu.memory_space<hbm>> -> memref<6272xf32, #tpu.memory_space<hbm>>
      %dma_wait3A_53 = tpu.memref_slice %arg5[%run_scoped3A_30, %mul3A_2] : memref<4x100352xf32, #tpu.memory_space<hbm>> -> memref<1x6272xf32, #tpu.memory_space<hbm>>
      %dma_wait3A_54 = tpu.memref_squeeze %dma_wait3A_53 : memref<1x6272xf32, #tpu.memory_space<hbm>> -> memref<6272xf32, #tpu.memory_space<hbm>>
      tpu.wait_dma2 semaphore(%run_scoped3A_48 : memref<!tpu.dma_semaphore, #tpu.memory_space<semaphore_mem>>) src(%dma_wait3A_54 : memref<6272xf32, #tpu.memory_space<hbm>>) dst(%arg23 : memref<6272xf32, #tpu.memory_space<vmem>>)
      tpu.yield
    }) : () -> ()
    %scan3A_31 = arith.constant 0 : i32
    %scan3A_32 = arith.constant 0 : i32
    %scan3A_33 = arith.constant 392 : i32
    %scan3A_34 = arith.addi %scan3A_32, %scan3A_33 : i32
    %scan3A_35 = arith.constant 1 : i32
    scf.for %scan3A_48 = %scan3A_32 to %scan3A_34 step %scan3A_35  : i32 {
      %mul3A_49 = arith.constant 16 : i32
      %mul3A_50 = arith.muli %scan3A_48, %mul3A_49 : i32
      %get3A = arith.index_cast %mul3A_50 : i32 to index
      %get3A_51 = tpu.vector_load %arg23[%get3A] {strides = array<i32>} : memref<6272xf32, #tpu.memory_space<vmem>>, vector<16xf32>,
      %get3A_52 = arith.index_cast %mul3A_50 : i32 to index
      %get3A_53 = tpu.vector_load %arg22[%get3A_52] {strides = array<i32>} : memref<6272xf32, #tpu.memory_space<vmem>>, vector<16xf32>,
      %mul3A_54 = arith.mulf %get3A_51, %get3A_53 : vector<16xf32>
      %swap3A = arith.index_cast %mul3A_50 : i32 to index
      %swap3A_55 = tpu.vector_load %arg23[%swap3A] {strides = array<i32>} : memref<6272xf32, #tpu.memory_space<vmem>>, vector<16xf32>,
      tpu.vector_store %arg23[%swap3A], %mul3A_54 {strides = array<i32>} : memref<6272xf32, #tpu.memory_space<vmem>>, vector<16xf32>,
    }
    %scan3A_36 = arith.constant 392 : i32
    "tpu.region"() ({
      %run_scoped3A_48 = tpu.sem_alloc : memref<!tpu.dma_semaphore, #tpu.memory_space<semaphore_mem>>
      %dma_start3A = tpu.memref_slice %arg15[%mul3A_2] : memref<100352xf32, #tpu.memory_space<vmem_shared>> -> memref<6272xf32, #tpu.memory_space<vmem_shared>>
      %dma_start3A_49 = tpu.memref_slice %arg15[%mul3A_2] : memref<100352xf32, #tpu.memory_space<vmem_shared>> -> memref<6272xf32, #tpu.memory_space<vmem_shared>>
      tpu.enqueue_dma source(%arg23 : memref<6272xf32, #tpu.memory_space<vmem>>) target(%dma_start3A_49 : memref<6272xf32, #tpu.memory_space<vmem_shared>>) target_semaphore(%run_scoped3A_48 : memref<!tpu.dma_semaphore, #tpu.memory_space<semaphore_mem>>)
      %dma_wait3A = tpu.memref_slice %arg15[%mul3A_2] : memref<100352xf32, #tpu.memory_space<vmem_shared>> -> memref<6272xf32, #tpu.memory_space<vmem_shared>>
      %dma_wait3A_50 = tpu.memref_slice %arg15[%mul3A_2] : memref<100352xf32, #tpu.memory_space<vmem_shared>> -> memref<6272xf32, #tpu.memory_space<vmem_shared>>
      tpu.wait_dma2 semaphore(%run_scoped3A_48 : memref<!tpu.dma_semaphore, #tpu.memory_space<semaphore_mem>>) src(%arg23 : memref<6272xf32, #tpu.memory_space<vmem>>) dst(%dma_wait3A_50 : memref<6272xf32, #tpu.memory_space<vmem_shared>>)
      tpu.yield
    }) : () -> ()
    %barrier3A = arith.constant 0 : index
    tpu.barrier barrier_id(%barrier3A)
    %scan3A_37 = arith.constant 0 : i32
    %scan3A_38 = arith.constant 0 : i32
    %scan3A_39 = arith.constant 17 : i32
    %scan3A_40 = arith.addi %scan3A_38, %scan3A_39 : i32
    %scan3A_41 = arith.constant 1 : i32
    scf.for %scan3A_48 = %scan3A_38 to %scan3A_40 step %scan3A_41  : i32 {
      "tpu.region"() ({
        %run_scoped3A_79 = tpu.sem_alloc : memref<!tpu.dma_semaphore, #tpu.memory_space<semaphore_mem>>
        %dma_start3A_80 = arith.constant 0 : i32
        %dma_start3A_81 = tpu.memref_slice %arg2[%add3A, %scan3A_48, %dma_start3A_80] : memref<32x17x2944xi32, #tpu.memory_space<hbm>> -> memref<1x1x2944xi32, #tpu.memory_space<hbm>>
        %dma_start3A_82 = tpu.memref_squeeze %dma_start3A_81 : memref<1x1x2944xi32, #tpu.memory_space<hbm>> -> memref<2944xi32, #tpu.memory_space<hbm>>
        %dma_start3A_83 = arith.constant 0 : i32
        %dma_start3A_84 = tpu.memref_slice %arg2[%add3A, %scan3A_48, %dma_start3A_83] : memref<32x17x2944xi32, #tpu.memory_space<hbm>> -> memref<1x1x2944xi32, #tpu.memory_space<hbm>>
        %dma_start3A_85 = tpu.memref_squeeze %dma_start3A_84 : memref<1x1x2944xi32, #tpu.memory_space<hbm>> -> memref<2944xi32, #tpu.memory_space<hbm>>
        tpu.enqueue_dma source(%dma_start3A_85 : memref<2944xi32, #tpu.memory_space<hbm>>) target(%arg16 : memref<2944xi32, #tpu.memory_space<vmem>>) target_semaphore(%run_scoped3A_79 : memref<!tpu.dma_semaphore, #tpu.memory_space<semaphore_mem>>)
        %dma_wait3A_86 = arith.constant 0 : i32
        %dma_wait3A_87 = tpu.memref_slice %arg2[%add3A, %scan3A_48, %dma_wait3A_86] : memref<32x17x2944xi32, #tpu.memory_space<hbm>> -> memref<1x1x2944xi32, #tpu.memory_space<hbm>>
        %dma_wait3A_88 = tpu.memref_squeeze %dma_wait3A_87 : memref<1x1x2944xi32, #tpu.memory_space<hbm>> -> memref<2944xi32, #tpu.memory_space<hbm>>
        %dma_wait3A_89 = arith.constant 0 : i32
        %dma_wait3A_90 = tpu.memref_slice %arg2[%add3A, %scan3A_48, %dma_wait3A_89] : memref<32x17x2944xi32, #tpu.memory_space<hbm>> -> memref<1x1x2944xi32, #tpu.memory_space<hbm>>
        %dma_wait3A_91 = tpu.memref_squeeze %dma_wait3A_90 : memref<1x1x2944xi32, #tpu.memory_space<hbm>> -> memref<2944xi32, #tpu.memory_space<hbm>>
        tpu.wait_dma2 semaphore(%run_scoped3A_79 : memref<!tpu.dma_semaphore, #tpu.memory_space<semaphore_mem>>) src(%dma_wait3A_91 : memref<2944xi32, #tpu.memory_space<hbm>>) dst(%arg16 : memref<2944xi32, #tpu.memory_space<vmem>>)
        tpu.yield
      }) : () -> ()
      "tpu.region"() ({
        %run_scoped3A_79 = tpu.sem_alloc : memref<!tpu.dma_semaphore, #tpu.memory_space<semaphore_mem>>
        %dma_start3A_80 = arith.constant 0 : i32
        %dma_start3A_81 = tpu.memref_slice %arg3[%add3A, %scan3A_48, %dma_start3A_80] : memref<32x17x2944xi32, #tpu.memory_space<hbm>> -> memref<1x1x2944xi32, #tpu.memory_space<hbm>>
        %dma_start3A_82 = tpu.memref_squeeze %dma_start3A_81 : memref<1x1x2944xi32, #tpu.memory_space<hbm>> -> memref<2944xi32, #tpu.memory_space<hbm>>
        %dma_start3A_83 = arith.constant 0 : i32
        %dma_start3A_84 = tpu.memref_slice %arg3[%add3A, %scan3A_48, %dma_start3A_83] : memref<32x17x2944xi32, #tpu.memory_space<hbm>> -> memref<1x1x2944xi32, #tpu.memory_space<hbm>>
        %dma_start3A_85 = tpu.memref_squeeze %dma_start3A_84 : memref<1x1x2944xi32, #tpu.memory_space<hbm>> -> memref<2944xi32, #tpu.memory_space<hbm>>
        tpu.enqueue_dma source(%dma_start3A_85 : memref<2944xi32, #tpu.memory_space<hbm>>) target(%arg17 : memref<2944xi32, #tpu.memory_space<vmem>>) target_semaphore(%run_scoped3A_79 : memref<!tpu.dma_semaphore, #tpu.memory_space<semaphore_mem>>)
        %dma_wait3A_86 = arith.constant 0 : i32
        %dma_wait3A_87 = tpu.memref_slice %arg3[%add3A, %scan3A_48, %dma_wait3A_86] : memref<32x17x2944xi32, #tpu.memory_space<hbm>> -> memref<1x1x2944xi32, #tpu.memory_space<hbm>>
        %dma_wait3A_88 = tpu.memref_squeeze %dma_wait3A_87 : memref<1x1x2944xi32, #tpu.memory_space<hbm>> -> memref<2944xi32, #tpu.memory_space<hbm>>
        %dma_wait3A_89 = arith.constant 0 : i32
        %dma_wait3A_90 = tpu.memref_slice %arg3[%add3A, %scan3A_48, %dma_wait3A_89] : memref<32x17x2944xi32, #tpu.memory_space<hbm>> -> memref<1x1x2944xi32, #tpu.memory_space<hbm>>
        %dma_wait3A_91 = tpu.memref_squeeze %dma_wait3A_90 : memref<1x1x2944xi32, #tpu.memory_space<hbm>> -> memref<2944xi32, #tpu.memory_space<hbm>>
        tpu.wait_dma2 semaphore(%run_scoped3A_79 : memref<!tpu.dma_semaphore, #tpu.memory_space<semaphore_mem>>) src(%dma_wait3A_91 : memref<2944xi32, #tpu.memory_space<hbm>>) dst(%arg17 : memref<2944xi32, #tpu.memory_space<vmem>>)
        tpu.yield
      }) : () -> ()
      %dma_start3A = arith.constant 0 : i32
      %dma_start3A_49 = tpu.memref_slice %arg12[%dma_start3A] : memref<100352xf32, #tpu.memory_space<vmem_shared>> -> memref<100352xf32, #tpu.memory_space<vmem_shared>>
      tpu.enqueue_indirect_dma source(%dma_start3A_49 : memref<100352xf32, #tpu.memory_space<vmem_shared>>) target(%arg18 : memref<2944xf32, #tpu.memory_space<vmem>>) offsets(%arg16 : memref<2944xi32, #tpu.memory_space<vmem>>) semaphore(%arg24 : memref<!tpu.dma_semaphore, #tpu.memory_space<semaphore_mem>>)
      %dma_start3A_50 = arith.constant 0 : i32
      %dma_start3A_51 = tpu.memref_slice %arg13[%dma_start3A_50] : memref<100352xf32, #tpu.memory_space<vmem_shared>> -> memref<100352xf32, #tpu.memory_space<vmem_shared>>
      tpu.enqueue_indirect_dma source(%dma_start3A_51 : memref<100352xf32, #tpu.memory_space<vmem_shared>>) target(%arg19 : memref<2944xf32, #tpu.memory_space<vmem>>) offsets(%arg16 : memref<2944xi32, #tpu.memory_space<vmem>>) semaphore(%arg25 : memref<!tpu.dma_semaphore, #tpu.memory_space<semaphore_mem>>)
      %dma_start3A_52 = arith.constant 0 : i32
      %dma_start3A_53 = tpu.memref_slice %arg14[%dma_start3A_52] : memref<100352xf32, #tpu.memory_space<vmem_shared>> -> memref<100352xf32, #tpu.memory_space<vmem_shared>>
      tpu.enqueue_indirect_dma source(%dma_start3A_53 : memref<100352xf32, #tpu.memory_space<vmem_shared>>) target(%arg20 : memref<2944xf32, #tpu.memory_space<vmem>>) offsets(%arg16 : memref<2944xi32, #tpu.memory_space<vmem>>) semaphore(%arg26 : memref<!tpu.dma_semaphore, #tpu.memory_space<semaphore_mem>>)
      %dma_start3A_54 = arith.constant 0 : i32
      %dma_start3A_55 = tpu.memref_slice %arg15[%dma_start3A_54] : memref<100352xf32, #tpu.memory_space<vmem_shared>> -> memref<100352xf32, #tpu.memory_space<vmem_shared>>
      tpu.enqueue_indirect_dma source(%dma_start3A_55 : memref<100352xf32, #tpu.memory_space<vmem_shared>>) target(%arg21 : memref<2944xf32, #tpu.memory_space<vmem>>) offsets(%arg16 : memref<2944xi32, #tpu.memory_space<vmem>>) semaphore(%arg27 : memref<!tpu.dma_semaphore, #tpu.memory_space<semaphore_mem>>)
      %dma_wait3A = arith.constant 0 : i32
      %dma_wait3A_56 = tpu.memref_slice %arg12[%dma_wait3A] : memref<100352xf32, #tpu.memory_space<vmem_shared>> -> memref<100352xf32, #tpu.memory_space<vmem_shared>>
      tpu.wait_indirect_dma semaphore(%arg24 : memref<!tpu.dma_semaphore, #tpu.memory_space<semaphore_mem>>) src(%dma_wait3A_56 : memref<100352xf32, #tpu.memory_space<vmem_shared>>) dst(%arg18 : memref<2944xf32, #tpu.memory_space<vmem>>)
      %dma_start3A_57 = arith.constant 0 : i32
      %dma_start3A_58 = tpu.memref_slice %arg8[%dma_start3A_57] : memref<100352xf32, #tpu.memory_space<vmem_shared>> -> memref<100352xf32, #tpu.memory_space<vmem_shared>>
      tpu.enqueue_indirect_dma source(%arg18 : memref<2944xf32, #tpu.memory_space<vmem>>) target(%dma_start3A_58 : memref<100352xf32, #tpu.memory_space<vmem_shared>>) offsets(%arg17 : memref<2944xi32, #tpu.memory_space<vmem>>) semaphore(%arg28 : memref<!tpu.dma_semaphore, #tpu.memory_space<semaphore_mem>>) {add = true}
      %dma_wait3A_59 = arith.constant 0 : i32
      %dma_wait3A_60 = tpu.memref_slice %arg13[%dma_wait3A_59] : memref<100352xf32, #tpu.memory_space<vmem_shared>> -> memref<100352xf32, #tpu.memory_space<vmem_shared>>
      tpu.wait_indirect_dma semaphore(%arg25 : memref<!tpu.dma_semaphore, #tpu.memory_space<semaphore_mem>>) src(%dma_wait3A_60 : memref<100352xf32, #tpu.memory_space<vmem_shared>>) dst(%arg19 : memref<2944xf32, #tpu.memory_space<vmem>>)
      %dma_start3A_61 = arith.constant 0 : i32
      %dma_start3A_62 = tpu.memref_slice %arg9[%dma_start3A_61] : memref<100352xf32, #tpu.memory_space<vmem_shared>> -> memref<100352xf32, #tpu.memory_space<vmem_shared>>
      tpu.enqueue_indirect_dma source(%arg19 : memref<2944xf32, #tpu.memory_space<vmem>>) target(%dma_start3A_62 : memref<100352xf32, #tpu.memory_space<vmem_shared>>) offsets(%arg17 : memref<2944xi32, #tpu.memory_space<vmem>>) semaphore(%arg29 : memref<!tpu.dma_semaphore, #tpu.memory_space<semaphore_mem>>) {add = true}
      %dma_wait3A_63 = arith.constant 0 : i32
      %dma_wait3A_64 = tpu.memref_slice %arg14[%dma_wait3A_63] : memref<100352xf32, #tpu.memory_space<vmem_shared>> -> memref<100352xf32, #tpu.memory_space<vmem_shared>>
      tpu.wait_indirect_dma semaphore(%arg26 : memref<!tpu.dma_semaphore, #tpu.memory_space<semaphore_mem>>) src(%dma_wait3A_64 : memref<100352xf32, #tpu.memory_space<vmem_shared>>) dst(%arg20 : memref<2944xf32, #tpu.memory_space<vmem>>)
      %dma_start3A_65 = arith.constant 0 : i32
      %dma_start3A_66 = tpu.memref_slice %arg10[%dma_start3A_65] : memref<100352xf32, #tpu.memory_space<vmem_shared>> -> memref<100352xf32, #tpu.memory_space<vmem_shared>>
      tpu.enqueue_indirect_dma source(%arg20 : memref<2944xf32, #tpu.memory_space<vmem>>) target(%dma_start3A_66 : memref<100352xf32, #tpu.memory_space<vmem_shared>>) offsets(%arg17 : memref<2944xi32, #tpu.memory_space<vmem>>) semaphore(%arg30 : memref<!tpu.dma_semaphore, #tpu.memory_space<semaphore_mem>>) {add = true}
      %dma_wait3A_67 = arith.constant 0 : i32
      %dma_wait3A_68 = tpu.memref_slice %arg15[%dma_wait3A_67] : memref<100352xf32, #tpu.memory_space<vmem_shared>> -> memref<100352xf32, #tpu.memory_space<vmem_shared>>
      tpu.wait_indirect_dma semaphore(%arg27 : memref<!tpu.dma_semaphore, #tpu.memory_space<semaphore_mem>>) src(%dma_wait3A_68 : memref<100352xf32, #tpu.memory_space<vmem_shared>>) dst(%arg21 : memref<2944xf32, #tpu.memory_space<vmem>>)
      %dma_start3A_69 = arith.constant 0 : i32
      %dma_start3A_70 = tpu.memref_slice %arg11[%dma_start3A_69] : memref<100352xf32, #tpu.memory_space<vmem_shared>> -> memref<100352xf32, #tpu.memory_space<vmem_shared>>
      tpu.enqueue_indirect_dma source(%arg21 : memref<2944xf32, #tpu.memory_space<vmem>>) target(%dma_start3A_70 : memref<100352xf32, #tpu.memory_space<vmem_shared>>) offsets(%arg17 : memref<2944xi32, #tpu.memory_space<vmem>>) semaphore(%arg31 : memref<!tpu.dma_semaphore, #tpu.memory_space<semaphore_mem>>) {add = true}
      %dma_wait3A_71 = arith.constant 0 : i32
      %dma_wait3A_72 = tpu.memref_slice %arg8[%dma_wait3A_71] : memref<100352xf32, #tpu.memory_space<vmem_shared>> -> memref<100352xf32, #tpu.memory_space<vmem_shared>>
      tpu.wait_indirect_dma semaphore(%arg28 : memref<!tpu.dma_semaphore, #tpu.memory_space<semaphore_mem>>) src(%arg18 : memref<2944xf32, #tpu.memory_space<vmem>>) dst(%dma_wait3A_72 : memref<100352xf32, #tpu.memory_space<vmem_shared>>)
      %dma_wait3A_73 = arith.constant 0 : i32
      %dma_wait3A_74 = tpu.memref_slice %arg9[%dma_wait3A_73] : memref<100352xf32, #tpu.memory_space<vmem_shared>> -> memref<100352xf32, #tpu.memory_space<vmem_shared>>
      tpu.wait_indirect_dma semaphore(%arg29 : memref<!tpu.dma_semaphore, #tpu.memory_space<semaphore_mem>>) src(%arg19 : memref<2944xf32, #tpu.memory_space<vmem>>) dst(%dma_wait3A_74 : memref<100352xf32, #tpu.memory_space<vmem_shared>>)
      %dma_wait3A_75 = arith.constant 0 : i32
      %dma_wait3A_76 = tpu.memref_slice %arg10[%dma_wait3A_75] : memref<100352xf32, #tpu.memory_space<vmem_shared>> -> memref<100352xf32, #tpu.memory_space<vmem_shared>>
      tpu.wait_indirect_dma semaphore(%arg30 : memref<!tpu.dma_semaphore, #tpu.memory_space<semaphore_mem>>) src(%arg20 : memref<2944xf32, #tpu.memory_space<vmem>>) dst(%dma_wait3A_76 : memref<100352xf32, #tpu.memory_space<vmem_shared>>)
      %dma_wait3A_77 = arith.constant 0 : i32
      %dma_wait3A_78 = tpu.memref_slice %arg11[%dma_wait3A_77] : memref<100352xf32, #tpu.memory_space<vmem_shared>> -> memref<100352xf32, #tpu.memory_space<vmem_shared>>
      tpu.wait_indirect_dma semaphore(%arg31 : memref<!tpu.dma_semaphore, #tpu.memory_space<semaphore_mem>>) src(%arg21 : memref<2944xf32, #tpu.memory_space<vmem>>) dst(%dma_wait3A_78 : memref<100352xf32, #tpu.memory_space<vmem_shared>>)
    }
    %scan3A_42 = arith.constant 17 : i32
    %barrier3A_43 = arith.constant 0 : index
    tpu.barrier barrier_id(%barrier3A_43)
    %run_scoped3A_44 = arith.constant 0 : i32
    "tpu.region"() ({
      %run_scoped3A_48 = tpu.sem_alloc : memref<!tpu.dma_semaphore, #tpu.memory_space<semaphore_mem>>
      %dma_start3A = tpu.memref_slice %arg7[%arg0, %run_scoped3A_44, %mul3A_2] : memref<2x4x100352xf32, #tpu.memory_space<hbm>> -> memref<1x1x6272xf32, #tpu.memory_space<hbm>>
      %dma_start3A_49 = tpu.memref_squeeze %dma_start3A : memref<1x1x6272xf32, #tpu.memory_space<hbm>> -> memref<6272xf32, #tpu.memory_space<hbm>>
      %dma_start3A_50 = tpu.memref_slice %arg8[%mul3A_2] : memref<100352xf32, #tpu.memory_space<vmem_shared>> -> memref<6272xf32, #tpu.memory_space<vmem_shared>>
      tpu.enqueue_dma source(%dma_start3A_50 : memref<6272xf32, #tpu.memory_space<vmem_shared>>) target(%dma_start3A_49 : memref<6272xf32, #tpu.memory_space<hbm>>) target_semaphore(%run_scoped3A_48 : memref<!tpu.dma_semaphore, #tpu.memory_space<semaphore_mem>>)
      %dma_wait3A = tpu.memref_slice %arg7[%arg0, %run_scoped3A_44, %mul3A_2] : memref<2x4x100352xf32, #tpu.memory_space<hbm>> -> memref<1x1x6272xf32, #tpu.memory_space<hbm>>
      %dma_wait3A_51 = tpu.memref_squeeze %dma_wait3A : memref<1x1x6272xf32, #tpu.memory_space<hbm>> -> memref<6272xf32, #tpu.memory_space<hbm>>
      %dma_wait3A_52 = tpu.memref_slice %arg8[%mul3A_2] : memref<100352xf32, #tpu.memory_space<vmem_shared>> -> memref<6272xf32, #tpu.memory_space<vmem_shared>>
      tpu.wait_dma2 semaphore(%run_scoped3A_48 : memref<!tpu.dma_semaphore, #tpu.memory_space<semaphore_mem>>) src(%dma_wait3A_52 : memref<6272xf32, #tpu.memory_space<vmem_shared>>) dst(%dma_wait3A_51 : memref<6272xf32, #tpu.memory_space<hbm>>)
      tpu.yield
    }) : () -> ()
    %run_scoped3A_45 = arith.constant 1 : i32
    "tpu.region"() ({
      %run_scoped3A_48 = tpu.sem_alloc : memref<!tpu.dma_semaphore, #tpu.memory_space<semaphore_mem>>
      %dma_start3A = tpu.memref_slice %arg7[%arg0, %run_scoped3A_45, %mul3A_2] : memref<2x4x100352xf32, #tpu.memory_space<hbm>> -> memref<1x1x6272xf32, #tpu.memory_space<hbm>>
      %dma_start3A_49 = tpu.memref_squeeze %dma_start3A : memref<1x1x6272xf32, #tpu.memory_space<hbm>> -> memref<6272xf32, #tpu.memory_space<hbm>>
      %dma_start3A_50 = tpu.memref_slice %arg9[%mul3A_2] : memref<100352xf32, #tpu.memory_space<vmem_shared>> -> memref<6272xf32, #tpu.memory_space<vmem_shared>>
      tpu.enqueue_dma source(%dma_start3A_50 : memref<6272xf32, #tpu.memory_space<vmem_shared>>) target(%dma_start3A_49 : memref<6272xf32, #tpu.memory_space<hbm>>) target_semaphore(%run_scoped3A_48 : memref<!tpu.dma_semaphore, #tpu.memory_space<semaphore_mem>>)
      %dma_wait3A = tpu.memref_slice %arg7[%arg0, %run_scoped3A_45, %mul3A_2] : memref<2x4x100352xf32, #tpu.memory_space<hbm>> -> memref<1x1x6272xf32, #tpu.memory_space<hbm>>
      %dma_wait3A_51 = tpu.memref_squeeze %dma_wait3A : memref<1x1x6272xf32, #tpu.memory_space<hbm>> -> memref<6272xf32, #tpu.memory_space<hbm>>
      %dma_wait3A_52 = tpu.memref_slice %arg9[%mul3A_2] : memref<100352xf32, #tpu.memory_space<vmem_shared>> -> memref<6272xf32, #tpu.memory_space<vmem_shared>>
      tpu.wait_dma2 semaphore(%run_scoped3A_48 : memref<!tpu.dma_semaphore, #tpu.memory_space<semaphore_mem>>) src(%dma_wait3A_52 : memref<6272xf32, #tpu.memory_space<vmem_shared>>) dst(%dma_wait3A_51 : memref<6272xf32, #tpu.memory_space<hbm>>)
      tpu.yield
    }) : () -> ()
    %run_scoped3A_46 = arith.constant 2 : i32
    "tpu.region"() ({
      %run_scoped3A_48 = tpu.sem_alloc : memref<!tpu.dma_semaphore, #tpu.memory_space<semaphore_mem>>
      %dma_start3A = tpu.memref_slice %arg7[%arg0, %run_scoped3A_46, %mul3A_2] : memref<2x4x100352xf32, #tpu.memory_space<hbm>> -> memref<1x1x6272xf32, #tpu.memory_space<hbm>>
      %dma_start3A_49 = tpu.memref_squeeze %dma_start3A : memref<1x1x6272xf32, #tpu.memory_space<hbm>> -> memref<6272xf32, #tpu.memory_space<hbm>>
      %dma_start3A_50 = tpu.memref_slice %arg10[%mul3A_2] : memref<100352xf32, #tpu.memory_space<vmem_shared>> -> memref<6272xf32, #tpu.memory_space<vmem_shared>>
      tpu.enqueue_dma source(%dma_start3A_50 : memref<6272xf32, #tpu.memory_space<vmem_shared>>) target(%dma_start3A_49 : memref<6272xf32, #tpu.memory_space<hbm>>) target_semaphore(%run_scoped3A_48 : memref<!tpu.dma_semaphore, #tpu.memory_space<semaphore_mem>>)
      %dma_wait3A = tpu.memref_slice %arg7[%arg0, %run_scoped3A_46, %mul3A_2] : memref<2x4x100352xf32, #tpu.memory_space<hbm>> -> memref<1x1x6272xf32, #tpu.memory_space<hbm>>
      %dma_wait3A_51 = tpu.memref_squeeze %dma_wait3A : memref<1x1x6272xf32, #tpu.memory_space<hbm>> -> memref<6272xf32, #tpu.memory_space<hbm>>
      %dma_wait3A_52 = tpu.memref_slice %arg10[%mul3A_2] : memref<100352xf32, #tpu.memory_space<vmem_shared>> -> memref<6272xf32, #tpu.memory_space<vmem_shared>>
      tpu.wait_dma2 semaphore(%run_scoped3A_48 : memref<!tpu.dma_semaphore, #tpu.memory_space<semaphore_mem>>) src(%dma_wait3A_52 : memref<6272xf32, #tpu.memory_space<vmem_shared>>) dst(%dma_wait3A_51 : memref<6272xf32, #tpu.memory_space<hbm>>)
      tpu.yield
    }) : () -> ()
    %run_scoped3A_47 = arith.constant 3 : i32
    "tpu.region"() ({
      %run_scoped3A_48 = tpu.sem_alloc : memref<!tpu.dma_semaphore, #tpu.memory_space<semaphore_mem>>
      %dma_start3A = tpu.memref_slice %arg7[%arg0, %run_scoped3A_47, %mul3A_2] : memref<2x4x100352xf32, #tpu.memory_space<hbm>> -> memref<1x1x6272xf32, #tpu.memory_space<hbm>>
      %dma_start3A_49 = tpu.memref_squeeze %dma_start3A : memref<1x1x6272xf32, #tpu.memory_space<hbm>> -> memref<6272xf32, #tpu.memory_space<hbm>>
      %dma_start3A_50 = tpu.memref_slice %arg11[%mul3A_2] : memref<100352xf32, #tpu.memory_space<vmem_shared>> -> memref<6272xf32, #tpu.memory_space<vmem_shared>>
      tpu.enqueue_dma source(%dma_start3A_50 : memref<6272xf32, #tpu.memory_space<vmem_shared>>) target(%dma_start3A_49 : memref<6272xf32, #tpu.memory_space<hbm>>) target_semaphore(%run_scoped3A_48 : memref<!tpu.dma_semaphore, #tpu.memory_space<semaphore_mem>>)
      %dma_wait3A = tpu.memref_slice %arg7[%arg0, %run_scoped3A_47, %mul3A_2] : memref<2x4x100352xf32, #tpu.memory_space<hbm>> -> memref<1x1x6272xf32, #tpu.memory_space<hbm>>
      %dma_wait3A_51 = tpu.memref_squeeze %dma_wait3A : memref<1x1x6272xf32, #tpu.memory_space<hbm>> -> memref<6272xf32, #tpu.memory_space<hbm>>
      %dma_wait3A_52 = tpu.memref_slice %arg11[%mul3A_2] : memref<100352xf32, #tpu.memory_space<vmem_shared>> -> memref<6272xf32, #tpu.memory_space<vmem_shared>>
      tpu.wait_dma2 semaphore(%run_scoped3A_48 : memref<!tpu.dma_semaphore, #tpu.memory_space<semaphore_mem>>) src(%dma_wait3A_52 : memref<6272xf32, #tpu.memory_space<vmem_shared>>) dst(%dma_wait3A_51 : memref<6272xf32, #tpu.memory_space<hbm>>)
      tpu.yield
    }) : () -> ()
    return
  }
}

module attributes {stable_mosaic.version = 14 : i64} {
  func.func @body(%arg0: i32, %arg1: memref<2x4x1024xf32, #tpu.memory_space<vmem>>, %arg2: memref<2x1024xf32, #tpu.memory_space<vmem>>, %arg3: memref<4x1024xf32, #tpu.memory_space<vmem>>, %arg4: memref<4x128xf32, #tpu.memory_space<vmem>>, %arg5: memref<128xf32, #tpu.memory_space<vmem>>, %arg6: memref<1024x128xf32, #tpu.memory_space<vmem>>) attributes {dimension_semantics = [#tpu.dimension_semantics<arbitrary>], iteration_bounds = array<i64: 98>, scalar_prefetch = 0 : i64, scratch_operands = 0 : i64, tpu.core_type = #tpu.core_type<tc>, window_params = [{transform_indices = @transform_0, window_bounds = array<i64: 2, 4, 1024>}, {transform_indices = @transform_1, window_bounds = array<i64: 2, 1024>}, {transform_indices = @transform_2, window_bounds = array<i64: 4, 1024>}, {pipeline_mode = #tpu.pipeline_mode<synchronous>, transform_indices = @transform_3, window_bounds = array<i64: 4, 128>}, {pipeline_mode = #tpu.pipeline_mode<synchronous>, transform_indices = @transform_4, window_bounds = array<i64: 128>}, {transform_indices = @transform_5, window_bounds = array<i64: 1024, 128>}]} {
    %get3A = arith.constant 0 : index
    %get3A_0 = arith.constant 0 : index
    %get3A_1 = vector.load %arg2[%get3A, %get3A_0] : memref<2x1024xf32, #tpu.memory_space<vmem>>, vector<1x1024xf32>
    %get3A_2 = vector.shape_cast %get3A_1 : vector<1x1024xf32> to vector<1024xf32>
    %get3A_3 = arith.constant 1 : index
    %get3A_4 = arith.constant 0 : index
    %get3A_5 = vector.load %arg2[%get3A_3, %get3A_4] : memref<2x1024xf32, #tpu.memory_space<vmem>>, vector<1x1024xf32>
    %get3A_6 = vector.shape_cast %get3A_5 : vector<1x1024xf32> to vector<1024xf32>
    %add3A = arith.addf %get3A_2, %get3A_6 : vector<1024xf32>
    %add3A_7 = arith.constant 1.000000e+00 : f32
    %add3A_8 = vector.broadcast %add3A_7 : f32 to vector<1024xf32>
    %add3A_9 = arith.addf %add3A, %add3A_8 : vector<1024xf32>
    %rsqrt3A = math.rsqrt %add3A_9 : vector<1024xf32>
    %broadcast_in_dim3A = vector.shape_cast %rsqrt3A : vector<1024xf32> to vector<1x1024xf32>
    %get3A_10 = arith.constant 0 : index
    %get3A_11 = arith.constant 0 : index
    %get3A_12 = arith.constant 0 : index
    %get3A_13 = vector.load %arg1[%get3A_10, %get3A_11, %get3A_12] : memref<2x4x1024xf32, #tpu.memory_space<vmem>>, vector<1x4x1024xf32>
    %get3A_14 = vector.shape_cast %get3A_13 : vector<1x4x1024xf32> to vector<4x1024xf32>
    %get3A_15 = arith.constant 1 : index
    %get3A_16 = arith.constant 0 : index
    %get3A_17 = arith.constant 0 : index
    %get3A_18 = vector.load %arg1[%get3A_15, %get3A_16, %get3A_17] : memref<2x4x1024xf32, #tpu.memory_space<vmem>>, vector<1x4x1024xf32>
    %get3A_19 = vector.shape_cast %get3A_18 : vector<1x4x1024xf32> to vector<4x1024xf32>
    %add3A_20 = arith.addf %get3A_14, %get3A_19 : vector<4x1024xf32>
    %mul3A = vector.broadcast %broadcast_in_dim3A : vector<1x1024xf32> to vector<4x1024xf32>
    %mul3A_21 = arith.mulf %mul3A, %add3A_20 : vector<4x1024xf32>
    %mul3A_22 = arith.mulf %rsqrt3A, %rsqrt3A : vector<1024xf32>
    %broadcast_in_dim3A_23 = vector.shape_cast %mul3A_22 : vector<1024xf32> to vector<1x1024xf32>
    %get3A_24 = arith.constant 0 : index
    %get3A_25 = arith.constant 0 : index
    %get3A_26 = vector.load %arg3[%get3A_24, %get3A_25] : memref<4x1024xf32, #tpu.memory_space<vmem>>, vector<4x1024xf32>
    %mul3A_27 = vector.broadcast %broadcast_in_dim3A_23 : vector<1x1024xf32> to vector<4x1024xf32>
    %mul3A_28 = arith.mulf %mul3A_27, %get3A_26 : vector<4x1024xf32>
    %add3A_29 = arith.addf %mul3A_21, %mul3A_28 : vector<4x1024xf32>
    %get3A_30 = arith.constant 0 : index
    %get3A_31 = arith.constant 0 : index
    %get3A_32 = vector.load %arg4[%get3A_30, %get3A_31] : memref<4x128xf32, #tpu.memory_space<vmem>>, vector<4x128xf32>
    %dot_general3A = arith.constant dense<0.000000e+00> : vector<1024x128xf32>
    %dot_general3A_33 = tpu.matmul %add3A_29, %get3A_32, %dot_general3A {dimension_numbers = #tpu.dot_dimension_numbers<[0], [0], [1], [1], [0, 1, 1, 1], [], []>, transpose_lhs_hint = false} : vector<4x1024xf32>, vector<4x128xf32>, vector<1024x128xf32> -> vector<1024x128xf32>
    %get3A_34 = arith.constant 0 : index
    %get3A_35 = vector.load %arg5[%get3A_34] : memref<128xf32, #tpu.memory_space<vmem>>, vector<128xf32>
    %broadcast_in_dim3A_36 = vector.shape_cast %get3A_35 : vector<128xf32> to vector<1x128xf32>
    %add3A_37 = vector.broadcast %broadcast_in_dim3A_36 : vector<1x128xf32> to vector<1024x128xf32>
    %add3A_38 = arith.addf %dot_general3A_33, %add3A_37 : vector<1024x128xf32>
    %swap3A = arith.constant 0 : index
    %swap3A_39 = arith.constant 0 : index
    %swap3A_40 = vector.load %arg6[%swap3A, %swap3A_39] : memref<1024x128xf32, #tpu.memory_space<vmem>>, vector<1024x128xf32>
    tpu.vector_store %arg6[%swap3A, %swap3A_39], %add3A_38 {strides = array<i32>} : memref<1024x128xf32, #tpu.memory_space<vmem>>, vector<1024x128xf32>,
    return
  }
  func.func @transform_0(%arg0: i32) -> (i32, i32, i32) {
    %c0_i32 = arith.constant 0 : i32
    %c0_i32_0 = arith.constant 0 : i32
    %c0_i32_1 = arith.constant 0 : i32
    return %c0_i32, %c0_i32_0, %arg0 : i32, i32, i32
  }
  func.func @transform_1(%arg0: i32) -> (i32, i32) {
    %c0_i32 = arith.constant 0 : i32
    %c0_i32_0 = arith.constant 0 : i32
    return %c0_i32, %arg0 : i32, i32
  }
  func.func @transform_2(%arg0: i32) -> (i32, i32) {
    %c0_i32 = arith.constant 0 : i32
    %c0_i32_0 = arith.constant 0 : i32
    return %c0_i32, %arg0 : i32, i32
  }
  func.func @transform_3(%arg0: i32) -> (i32, i32) {
    %c0_i32 = arith.constant 0 : i32
    %c0_i32_0 = arith.constant 0 : i32
    %c0_i32_1 = arith.constant 0 : i32
    return %c0_i32, %c0_i32_0 : i32, i32
  }
  func.func @transform_4(%arg0: i32) -> i32 {
    %c0_i32 = arith.constant 0 : i32
    %c0_i32_0 = arith.constant 0 : i32
    return %c0_i32 : i32
  }
  func.func @transform_5(%arg0: i32) -> (i32, i32) {
    %c0_i32 = arith.constant 0 : i32
    %c0_i32_0 = arith.constant 0 : i32
    return %arg0, %c0_i32 : i32, i32
  }
}

</mosaic_0001>

<sc_bundles>
// kernel: kernel.5.cloned.1.call-start
scs
__scs_entry_jumppad:
0x0: {  	(pc) =	sbr.rel $0x88, $3  }
0x1: {  	(tag) =	ssettag $0x0;
	lr =	simm.s32 $0x1  }
0x2: {  	[smem:$0x3F9D] =	sst lr;
	_ =	strace $0xD0000000  }
0x3: {  	_ = 	snop  }
0x4: {  	_ = 	snop  }
0x5: {  	_ = 	snop  }
0x6: {  	_ = 	snop  }
0x7: {  	_ = 	snop  }
__scs_overlays_trampoline_lowered:
0x8: {  	[smem:$0x3FAC] =	sst s0  }
0x9: {  	[smem:$0x3FAD] =	sst s1  }
0xa: {  	[smem:$0x3FAE] =	sst s2  }
0xb: {  	[smem:$0x3FAF] =	sst s3  }
0xc: {  	[smem:$0x3FB0] =	sst s4  }
0xd: {  	[smem:$0x3FB1] =	sst s5  }
0xe: {  	[smem:$0x3FB2] =	sst s6  }
0xf: {  	[smem:$0x3FB3] =	sst s7  }
0x10: {  	[smem:$0x3FB4] =	sst s8  }
0x11: {  	[smem:$0x3FB5] =	sst s9;
	s0 =	simm.s32 @!p0 $0x0  }
0x12: {  	s1 =	sld [smem:$0x3F9B];
	s0 =	simm.s32 @p0 $0x1  }
0x13: {  	[smem:$0x3FB6] =	sst s0;
	s0 =	simm.s32 @!p1 $0x0  }
0x14: {  	s2 =	sld [smem:$0x3F9A];
	s0 =	simm.s32 @p1 $0x1  }
0x15: {  	[smem:$0x3FB7] =	sst s0;
	s0 =	simm.s32 @!p2 $0x0  }
0x16: {  	s3 =	sld [smem:$0x3FDB];
	s0 =	simm.s32 @p2 $0x1  }
0x17: {  	s4 =	simm.s32 $0x1BF5;
	[smem:$0x3FB9] =	sst s0  }
0x18: {  	s0 =	sld [smem:$0x3F9C];
	_ =	swait.ge [sflag:s4], $0x0  }
0x19: {  	s7 =	sld [smem:$0x3F9D]  }
0x1a: {  	s8 =	sadd.s32 $0xFFFFE003, lr  }
0x1b: {  	s9 =	sadd.s32 $0xFFFFFEF7, lr;
	s5 =	simm.s32 $0xFFFFFFFF;
	p2 =	slt.u32 s8, $0xFFFFF086  }
0x1c: {  	p1 =	slt.u32 s9, $0xF7A;
	s5 =	simm.s32 @!p2 $0x0  }
0x1d: {  	s5 =	simm.s32 @p1 $0x1;
	p0 =	seq.s32 s7, s2  }
0x1e: {  	s7 =	smul.u32 @!p0 $0xF7A, s2;
	p2 =	seq.s32 @!p0 s5, $0x0  }
0x1f: {  	s9 =	smul.u32 $0xF7A, s1;
	s8 =	simm.s32 @!p0 $0x1BF5;
	p2 =	por !p2, p0  }
0x20: {  	[sflag:s8] =	ssyncset.s32 @!p0 $0xFFFFF086;
	s6 =	sadd.s32 @!p0 s3, s7;
	s7 =	simm.s32 @!p0 $0x108  }
0x21: {  	s3 =	sadd.s32 s3, s9;
	s6 =	sadd.s32 @!p0 $0x88, s6;
	s7 =	simm.s32 @p2 $0x1082  }
0x22: {  	[simem:s7], [sflag:s8] =	dma.local @!p0 [hbm:s6], $0xF7A  }
0x23: {  	s9 =	sor.u32 $0xD0000000, s2;
	s6 =	simm.s32 $0x108;
	_ =	swait.ge @!p0 [sflag:s8], $0x0  }
0x24: {  	s3 =	sadd.s32 $0x88, s3;
	s6 =	simm.s32 @!p1 $0x1082;
	[sflag:s4] =	ssyncset.s32 $0xFFFFF086  }
0x25: {  	[simem:s6], [sflag:s4] =	dma.local [hbm:s3], $0xF7A  }
0x26: {  	[smem:$0x3F9D] =	sst s1;
	(tag) =	ssettag s2;
	_ =	strace s9  }
0x27: {  	s1 =	sld [smem:$0x3FAD]  }
0x28: {  	s2 =	sld [smem:$0x3FAE]  }
0x29: {  	s4 =	sld [smem:$0x3FB0]  }
0x2a: {  	p0 =	seq.s32 s5, $0x0;
	s5 =	sld [smem:$0x3FB1]  }
0x2b: {  	s6 =	sld [smem:$0x3FB2]  }
0x2c: {  	s7 =	sld [smem:$0x3FB3]  }
0x2d: {  	s3 =	simm.s32 $0x108;
	s8 =	sld [smem:$0x3FB4]  }
0x2e: {  	s3 =	simm.s32 @!p0 $0x1082;
	s9 =	sld [smem:$0x3FB5]  }
0x2f: {  	lr =	sadd.s32 s0, s3;
	s0 =	sld [smem:$0x3FAC]  }
0x30: {  	s3 =	sld [smem:$0x3FAF]  }
0x31: {  	[smem:$0x3FB8] =	sst s10  }
0x32: {  	s10 =	sld [smem:$0x3FB6];
	_ =	sdelay $0x3  }
0x33: {  	p0 =	seq.s32 s10, $0x1;
	s10 =	sld [smem:$0x3FB8];
	_ =	sdelay $0x3  }
0x34: {  	[smem:$0x3FB8] =	sst s10  }
0x35: {  	s10 =	sld [smem:$0x3FB7];
	_ =	sdelay $0x3  }
0x36: {  	p1 =	seq.s32 s10, $0x1;
	s10 =	sld [smem:$0x3FB8];
	_ =	sdelay $0x3  }
0x37: {  	[smem:$0x3FB8] =	sst s10  }
0x38: {  	s10 =	sld [smem:$0x3FB9]  }
0x39: {  	_ = 	snop;
	(pc) =	sbr.ind lr, $3  }
0x3a: {  	_ = 	snop  }
0x3b: {  	_ = 	snop  }
0x3c: {  	p2 =	seq.s32 s10, $0x1;
	s10 =	sld [smem:$0x3FB8]  }
0x3d: {  	_ =	shalt  }
0x3e: {  	_ =	shalt  }
0x3f: {  	_ =	shalt  }
0x40: {  	_ =	shalt  }
0x41: {  	_ =	shalt  }
0x42: {  	_ =	shalt  }
0x43: {  	_ =	shalt  }
0x44: {  	_ =	shalt  }
0x45: {  	_ =	shalt  }
0x46: {  	_ =	shalt  }
0x47: {  	_ =	shalt  }
0x48: {  	_ =	shalt  }
0x49: {  	_ =	shalt  }
0x4a: {  	_ =	shalt  }
0x4b: {  	_ =	shalt  }
0x4c: {  	_ =	shalt  }
0x4d: {  	_ =	shalt  }
0x4e: {  	_ =	shalt  }
0x4f: {  	_ =	shalt  }
0x50: {  	_ =	shalt  }
0x51: {  	_ =	shalt  }
0x52: {  	_ =	shalt  }
0x53: {  	_ =	shalt  }
0x54: {  	_ =	shalt  }
0x55: {  	_ =	shalt  }
0x56: {  	_ =	shalt  }
0x57: {  	_ =	shalt  }
0x58: {  	_ =	shalt  }
0x59: {  	_ =	shalt  }
0x5a: {  	_ =	shalt  }
0x5b: {  	_ =	shalt  }
0x5c: {  	_ =	shalt  }
0x5d: {  	_ =	shalt  }
0x5e: {  	_ =	shalt  }
0x5f: {  	_ =	shalt  }
0x60: {  	_ =	shalt  }
0x61: {  	_ =	shalt  }
0x62: {  	_ =	shalt  }
0x63: {  	_ =	shalt  }
0x64: {  	_ =	shalt  }
0x65: {  	_ =	shalt  }
0x66: {  	_ =	shalt  }
0x67: {  	_ =	shalt  }
0x68: {  	_ =	shalt  }
0x69: {  	_ =	shalt  }
0x6a: {  	_ =	shalt  }
0x6b: {  	_ =	shalt  }
0x6c: {  	_ =	shalt  }
0x6d: {  	_ =	shalt  }
0x6e: {  	_ =	shalt  }
0x6f: {  	_ =	shalt  }
0x70: {  	_ =	shalt  }
0x71: {  	_ =	shalt  }
0x72: {  	_ =	shalt  }
0x73: {  	_ =	shalt  }
0x74: {  	_ =	shalt  }
0x75: {  	_ =	shalt  }
0x76: {  	_ =	shalt  }
0x77: {  	_ =	shalt  }
0x78: {  	_ =	shalt  }
0x79: {  	_ =	shalt  }
0x7a: {  	_ =	shalt  }
0x7b: {  	_ =	shalt  }
0x7c: {  	_ =	shalt  }
0x7d: {  	_ =	shalt  }
0x7e: {  	_ =	shalt  }
0x7f: {  	_ =	shalt  }
0x80: {  	_ =	shalt  }
0x81: {  	_ =	shalt  }
0x82: {  	_ =	shalt  }
0x83: {  	_ =	shalt  }
0x84: {  	_ =	shalt  }
0x85: {  	_ =	shalt  }
0x86: {  	_ =	shalt  }
0x87: {  	_ =	shalt  }
.Lfunc_end0:
.L_simem_size_0:
called_computation_lowered:
.L_overlay_start_0:
0x88: {  	s2 =	sld [smem:$0x3FD9]  }
0x89: {  	s3 =	sld [smem:$0x3FFE];
	_ =	sdelay $0x1  }
0x8a: {  	s1 =	srdreg.scid  }
0x8b: {  	s0 =	sand.u32 $0x1, s1  }
0x8c: {  	s16 =	sshll.u32 s0, $0xA;
	s2 =	sadd.s32 s3, s2  }
0x8d: {  	s2 =	sadd.s32 s2, s16  }
0x8e: {  	[smem:$0x3FC4] =	sst s2  }
0x8f: {  	_ = 	snop  }
0x90: {  	(tm) =	ssettm $0x1  }
0x91: {  	s17 =	sld [smem:$0x3FFB];
	_ =	sdelay $0x3  }
0x92: {  	_ =	strace s17  }
0x93: {  	s2 =	sld [smem:$0x3FFC];
	_ =	sdelay $0x3  }
0x94: {  	_ =	strace s2  }
0x95: {  	s2 =	sld [smem:$0x3FFD];
	_ =	sdelay $0x3  }
0x96: {  	_ =	strace s2  }
0x97: {  	_ =	strace $0x8FFFFFFF  }
0x98: {  	s18 =	sld [smem:$0x3FDB];
	_ =	sdelay $0x1  }
0x99: {  	s19 =	simm.s32 $_scs_section_size  }
0x9a: {  	s4 =	simm.s32 $_size__tile_overlayer_lowered;
	s5 =	simm.s32 $_tile_overlayer_lowered  }
0x9b: {  	s22 =	simm.s32 $0x1BFF;
	s21 =	sshll.u32 s5, $0x1;
	s2 =	sadd.s32 s19, s18  }
0x9c: {  	s6 =	simm.s32 $0x0;
	s20 =	sshll.u32 s4, $0x1;
	s4 =	sadd.s32 s21, s2  }
0x9d: {  	[timem:s6], [sflag:s22] =	dma.local [hbm:s4], s20  }
0x9e: {  	_ =	swait.ge [sflag:s22], s20  }
0x9f: {  	s3 =	ssub.s32 $0x0, s20;
	[sflag:s22] =	ssyncset.done $0x0  }
0xa0: {  	[sflag:s22] =	ssyncadd.s32 s3;
	_ =	sdelay $0x1  }
0xa1: {  	s23 =	simm.s32 $0x1B8B  }
0xa2: {  	_ =	swait.ge [sflag:s23], $0x1  }
0xa3: {  	[sflag:s23] =	ssyncset.done $0x0  }
0xa4: {  	s25 =	simm.s32 $0x1B8E;
	s24 =	sld [smem:$0x3FFE];
	[sflag:s23] =	ssyncadd.s32 $0xFFFFFFFF  }
0xa5: {  	s26 =	simm.s32 $execute0_lowered;
	[smem:$0x3FD2] =	sst s25  }
0xa6: {  	s4 =	sshll.u32 s26, $0x1;
	_ =	strace $0x80000046;
	[dreg:$0x1] =	wrdreg $0xFFFFFFFF  }
0xa7: {  	s28 =	simm.s32 $_size_execute0_lowered;
	s2 =	sadd.s32 s2, s4;
	[dreg:$0x0] =	wrdreg $0x0  }
0xa8: {  	s4 =	sshll.u32 s28, $0x1;
	[dreg:$0x2] =	wrdreg s2  }
0xa9: {  	[dreg:$0x3] =	wrdreg s4  }
0xaa: {  	[dreg:$0x4] =	wrdreg $0xC0  }
0xab: {  	_ =	task [dreg:s6], $0x5FFFF  }
0xac: {  	[dreg:$0x1] =	wrdreg $0xFFFFFFFF  }
0xad: {  	[dreg:$0x0] =	wrdreg $0x60  }
0xae: {  	[dreg:$0x2] =	wrdreg s24  }
0xaf: {  	[dreg:$0x3] =	wrdreg $0x0  }
0xb0: {  	[dreg:$0x4] =	wrdreg $0x9  }
0xb1: {  	_ =	task.clear_ibuf [dreg:s6], $0x5FFFF;
	_ =	strace $0x90000046  }
0xb2: {  	s29 =	simm.s32 $0x9;
	_ =	strace $0x80000048  }
0xb3: {  	_ =	swait.ge [sflag:s29], $0x1  }
0xb4: {  	[sflag:s29] =	ssyncadd.s32 $0xFFFFFFFF  }
0xb5: {  	_ =	strace $0x90000048  }
0xb6: {  	_ =	sfence  }
0xb7: {  	s30 =	sld [smem:$0x0];
	_ =	sdelay $0x2  }
0xb8: {  	s31 =	sshll.u32 s1, $0xD;
	s1 =	sshrl.u32 s1, $0x2  }
0xb9: {  	s3 =	sand.u32 $0x4000, s31;
	s1 =	sadd.s32 s1, s30  }
0xba: {  	s0 =	sor.u32 s3, s0;
	s1 =	sshll.u32 s1, $0x11  }
0xbb: {  	s0 =	sor.u32 s1, s0  }
0xbc: {  	s0 =	sadd.s32 $0x8F2B, s0  }
0xbd: {  	[sflag:s0] =	ssyncadd.remote.s32 $0x1  }
0xbe: {  	_ =	sfence.sel $0xFFFF  }
0xbf: {  	[dreg:$0x0] =	wrdreg $0xFFFFFFFF;
	(pc) =	sbr.abs _section_cstart, $3  }
0xc0: {  	[dreg:$0x1] =	wrdreg $0xFFFFFFFF  }
0xc1: {  	_ =	task.clear_ibuf [dreg:s6], $0x2FFFF;
	_ =	strace $0x9FFFFFFF  }
0xc2: {  	(tm) =	ssettm $0x7FFFFFFF  }
0xc3: {  	_ =	shalt  }
tec
execute0_lowered:
.L_overlay_start_1:
0x0: {  	(tag) =	ssettag $0x1  }
0x1: {  	s6 =	rddreg [dreg:$0x0]  }
0x2: {  	s2 =	rddreg [dreg:$0x1]  }
0x3: {  	s0 =	rddreg [dreg:$0x2];
	s3 =	simm.s32 $0x0;
	s1 =	stileid.u32  }
0x4: {  	s4 =	srdreg.scid;
	s13 =	simm.s32 $0x2400;
	s14 =	simm.s32 $0x80  }
0x5: {  	s15 =	simm.s32 $0x400;
	s16 =	simm.s32 $0x1880;
	s17 =	simm.s32 $0xB80  }
0x6: {  	s18 =	simm.s32 $0x20;
	s19 =	simm.s32 $0x10;
	s20 =	simm.s32 $0x0  }
0x7: {  	[smem:$0x7FF] =	sst s3;
	s7 =	smul.u32 $0x1880, s1;
	s8 =	sand.u32 $0x1, s4  }
0x8: {  	s5 =	smul.u32 $0x3100, s1;
	s4 =	sadd.s32 $0x600, s6;
	s31 =	sshll.u32 s1, $0x6  }
0x9: {  	_ =	strace $0x80000047;
	s10 =	sshll.u32 s8, $0x7;
	s11 =	ssub.s32 $0x2, s8  }
0xa: {  	s29 =	sshll.u32 s8, $0x4;
	s9 =	sshrl.u32 s7, $0x3;
	s10 =	sor.u32 s10, s5  }
0xb: {  	s5 =	sadd.s32 $0x45600, s6;
	s12 =	sshrl.u32 s11, $0x1;
	s8 =	sor.u32 s1, s29  }
0xc: {  	s30 =	sadd.s32 s7, s2;
	s7 =	sor.u32 $0x1C01, s31;
	s9 =	sadd.s32 s9, s6  }
0xd: {  	s10 =	sshrl.u32 s10, $0x3;
	s11 =	ssub.s32 s11, s12;
	s8 =	smul.u32 $0x11400, s8  }
0xe: {  	s12 =	simm.s32 $0x1;
	s10 =	sadd.s32 s10, s6;
	s6 =	sadd.s32 $0x45800, s9  }
0xf: {  	s9 =	sadd.s32 $0x48A00, s10;
	s10 =	smax.u32 s11, $0x1;
	s11 =	sshrl.u32 s30, $0x3  }
.LBB2_1:
0x10: {  	[spmem:s11], [sflag:s7] =	dma.local [hbm:s6], $0x310  }
0x11: {  	_ =	swait.ge [sflag:s12], $0x310  }
0x12: {  	s21 =	simm.s32 $0x0;
	[sflag:s12] =	ssyncset.done $0x0  }
0x13: {  	s21 =	smul.u32 $0x5C00, s21;
	[sflag:s12] =	ssyncadd.s32 $0xFFFFFCF0  }
0x14: {  	[tilespmem:s13], [sflag:$0x1] =	stream.linear.gather [hbm4b:s5+s3], $0xB80, $0x38;
	[tilespmem:$0x2F80] =	vst v63  }
0x15: {  	s22 =	sand.u32 $0x380, s3;
	s21 =	sadd.s32 s8, s21;
	_ =	swait.ge [sflag:s12], $0xB80  }
0x16: {  	s21 =	sor.u32 s22, s21;
	[sflag:s12] =	ssyncset.done $0x0  }
0x17: {  	s21 =	sshrl.u32 s21, $0x3;
	[sflag:s12] =	ssyncadd.s32 $0xFFFFF480  }
0x18: {  	s21 =	sadd.s32 s4, s21;
	[bflag:$0x0] =	sbarrier.arrive $0xFFFF  }
0x19: {  	[tilespmem:s16], [sflag:$0x1] =	stream.strided.gather [hbm4b:s21+s14], $0xB80, s15, s14, $0x38;
	[tilespmem:$0x2F80] =	vst v63  }
0x1a: {  	_ =	swait.ge [sflag:s12], $0xB80  }
0x1b: {  	s30 =	simm.s32 $0x0;
	[sflag:s12] =	ssyncset.done $0x0  }
0x1c: {  	s31 =	smul.u32 $0x5C00, s30;
	s21 =	simm.s32 $0x80;
	[sflag:s12] =	ssyncadd.s32 $0xFFFFF480  }
0x1d: {  	[spmem:s2] =	stream.indirect.scatter.add.f32 [tilespmem:s13], [sflag:$0x1], $0x1, s16, s17, $0xb8;
	[tilespmem:$0x2F80] =	vst v63  }
0x1e: {  	s23 =	sadd.s32 s8, s31;
	s24 =	sand.u32 $0x380, s21;
	_ =	swait.ge [sflag:s12], $0xB80  }
0x1f: {  	s22 =	simm.s32 $0x2;
	s23 =	sor.u32 s24, s23;
	[sflag:s12] =	ssyncset.done $0x0  }
.LBB2_2:
0x20: {  	s23 =	sshrl.u32 s23, $0x3  }
0x21: {  	[sflag:s12] =	ssyncadd.s32 $0xFFFFF480;
	s24 =	smov.u32 s22;
	s25 =	sadd.s32 $0x1, s22  }
0x22: {  	p0 =	sne.s32 s22, $0x10;
	s22 =	sadd.s32 s4, s23  }
0x23: {  	[tilespmem:s16], [sflag:$0x1] =	stream.strided.gather [hbm4b:s22+s14], $0xB80, s15, s14, $0x38;
	[tilespmem:$0x2F80] =	vst v63  }
0x24: {  	_ =	swait.ge [sflag:s12], $0xB80  }
.Ltmp0:
0x25: {  	s22 =	sshrl.u32 s24, $0x3;
	[sflag:s12] =	ssyncset.done $0x0;
	(pc) =	sbr.rel @p0 .LBB2_2-.Ltmp0, $4  }
0x26: {  	s21 =	sadd.s32 $0x80, s21;
	s22 =	smul.u32 $0x5C00, s22;
	[sflag:s12] =	ssyncadd.s32 $0xFFFFF480  }
0x27: {  	[spmem:s2] =	stream.indirect.scatter.add.f32 [tilespmem:s13], [sflag:$0x1], $0x1, s16, s17, $0xb8;
	[tilespmem:$0x2F80] =	vst v63  }
0x28: {  	s23 =	sand.u32 $0x380, s21;
	s22 =	sadd.s32 s8, s22;
	_ =	swait.ge [sflag:s12], $0xB80  }
0x29: {  	s23 =	sor.u32 s23, s22;
	s22 =	smov.u32 s25;
	[sflag:s12] =	ssyncset.done $0x0  }
0x2a: {  	s21 =	sshrl.u32 s23, $0x3  }
0x2b: {  	[sflag:s12] =	ssyncadd.s32 $0xFFFFF480;
	s21 =	sadd.s32 s4, s21  }
0x2c: {  	[tilespmem:s16], [sflag:$0x1] =	stream.strided.gather [hbm4b:s21+s14], $0xB80, s15, s14, $0x38;
	[tilespmem:$0x2F80] =	vst v63  }
0x2d: {  	_ =	swait.ge [sflag:s12], $0xB80  }
0x2e: {  	[sflag:s12] =	ssyncset.done $0x0  }
0x2f: {  	[sflag:s12] =	ssyncadd.s32 $0xFFFFF480  }
0x30: {  	[spmem:s2] =	stream.indirect.scatter.add.f32 [tilespmem:s13], [sflag:$0x1], $0x1, s16, s17, $0xb8;
	[tilespmem:$0x2F80] =	vst v63  }
0x31: {  	_ =	swait.ge [sflag:s12], $0xB80  }
0x32: {  	s20 =	sadd.s32 $0x1, s20;
	[sflag:s12] =	ssyncset.done $0x0  }
0x33: {  	p0 =	sne.s32 s20, s10;
	[sflag:s12] =	ssyncadd.s32 $0xFFFFF480  }
.Ltmp1:
0x34: {  	[bflag:$0x0] =	sbarrier.arrive $0xFFFF;
	(pc) =	sbr.rel @p0 .LBB2_1-.Ltmp1, $4  }
0x35: {  	[hbm:s9@s18], [sflag:s7] =	dma.strided [spmem:s11@s19], $0x310, s12, $0x10   }
0x36: {  	_ =	swait.ge [sflag:s12], $0x310  }
0x37: {  	[sflag:s12] =	ssyncset.done $0x0  }
0x38: {  	[sflag:s12] =	ssyncadd.s32 $0xFFFFFCF0  }
0x39: {  	_ =	sfence.sel $0x180000  }
0x3a: {  	[bflag:$0x0] =	sbarrier.arrive $0xFFFF  }
0x3b: {  	p0 =	sne.s32 s1, $0x0;
	_ =	strace $0x90000047  }
0x3c: {  	s0 =	sadd.s32 @!p0 $0x100000, s0;
	[bflag:$0x2] =	sbarrier.arrive $0xFFFF  }
0x3d: {  	[sflag:s0] =	ssyncadd.tile.s32 @!p0 $0x1;
	_ =	shalt  }
.Lfunc_end2:
_tile_overlayer_lowered:
.L_overlay_start_2:
0x3e: {  	(tag) =	ssettag $0x2  }
0x3f: {  	s0 =	rddreg [dreg:$0x0];
	s2 =	stileid.u32  }
0x40: {  	s1 =	rddreg [dreg:$0x1];
	p0 =	sne.s32 s2, $0x0  }
0x41: {  	s3 =	rddreg [dreg:$0x2];
	[bflag:$0x3] =	sbarrier.arrive $0xFFFF;
	s2 =	simm.s32 @!p0 $0x1C01  }
0x42: {  	[timem:s3], [sflag:s2] =	dma.local @!p0 [hbm:s0], s1  }
0x43: {  	s0 =	simm.s32 @!p0 $0x1  }
0x44: {  	_ =	swait.ge @!p0 [sflag:s0], s1  }
0x45: {  	s1 =	ssub.s32 @!p0 $0x0, s1;
	[sflag:s0] =	ssyncset.done @!p0 $0x0  }
0x46: {  	[sflag:s0] =	ssyncadd.s32 @!p0 s1  }
0x47: {  	[bflag:$0x3] =	sbarrier.arrive $0xFFFF  }
0x48: {  	_ =	shalt  }

// kernel: kernel.8.cloned.1.call-start
scs
__scs_entry_jumppad:
0x0: {  	(pc) =	sbr.rel $0x88, $3  }
0x1: {  	(tag) =	ssettag $0x0;
	lr =	simm.s32 $0x1  }
0x2: {  	[smem:$0x3F9D] =	sst lr;
	_ =	strace $0xD0000000  }
0x3: {  	_ = 	snop  }
0x4: {  	_ = 	snop  }
0x5: {  	_ = 	snop  }
0x6: {  	_ = 	snop  }
0x7: {  	_ = 	snop  }
__scs_overlays_trampoline_lowered:
0x8: {  	[smem:$0x3FAC] =	sst s0  }
0x9: {  	[smem:$0x3FAD] =	sst s1  }
0xa: {  	[smem:$0x3FAE] =	sst s2  }
0xb: {  	[smem:$0x3FAF] =	sst s3  }
0xc: {  	[smem:$0x3FB0] =	sst s4  }
0xd: {  	[smem:$0x3FB1] =	sst s5  }
0xe: {  	[smem:$0x3FB2] =	sst s6  }
0xf: {  	[smem:$0x3FB3] =	sst s7  }
0x10: {  	[smem:$0x3FB4] =	sst s8  }
0x11: {  	[smem:$0x3FB5] =	sst s9;
	s0 =	simm.s32 @!p0 $0x0  }
0x12: {  	s1 =	sld [smem:$0x3F9B];
	s0 =	simm.s32 @p0 $0x1  }
0x13: {  	[smem:$0x3FB6] =	sst s0;
	s0 =	simm.s32 @!p1 $0x0  }
0x14: {  	s2 =	sld [smem:$0x3F9A];
	s0 =	simm.s32 @p1 $0x1  }
0x15: {  	[smem:$0x3FB7] =	sst s0;
	s0 =	simm.s32 @!p2 $0x0  }
0x16: {  	s3 =	sld [smem:$0x3FDB];
	s0 =	simm.s32 @p2 $0x1  }
0x17: {  	s4 =	simm.s32 $0x1BF5;
	[smem:$0x3FB9] =	sst s0  }
0x18: {  	s0 =	sld [smem:$0x3F9C];
	_ =	swait.ge [sflag:s4], $0x0  }
0x19: {  	s7 =	sld [smem:$0x3F9D]  }
0x1a: {  	s8 =	sadd.s32 $0xFFFFE003, lr  }
0x1b: {  	s9 =	sadd.s32 $0xFFFFFEF7, lr;
	s5 =	simm.s32 $0xFFFFFFFF;
	p2 =	slt.u32 s8, $0xFFFFF086  }
0x1c: {  	p1 =	slt.u32 s9, $0xF7A;
	s5 =	simm.s32 @!p2 $0x0  }
0x1d: {  	s5 =	simm.s32 @p1 $0x1;
	p0 =	seq.s32 s7, s2  }
0x1e: {  	s7 =	smul.u32 @!p0 $0xF7A, s2;
	p2 =	seq.s32 @!p0 s5, $0x0  }
0x1f: {  	s9 =	smul.u32 $0xF7A, s1;
	s8 =	simm.s32 @!p0 $0x1BF5;
	p2 =	por !p2, p0  }
0x20: {  	[sflag:s8] =	ssyncset.s32 @!p0 $0xFFFFF086;
	s6 =	sadd.s32 @!p0 s3, s7;
	s7 =	simm.s32 @!p0 $0x108  }
0x21: {  	s3 =	sadd.s32 s3, s9;
	s6 =	sadd.s32 @!p0 $0x88, s6;
	s7 =	simm.s32 @p2 $0x1082  }
0x22: {  	[simem:s7], [sflag:s8] =	dma.local @!p0 [hbm:s6], $0xF7A  }
0x23: {  	s9 =	sor.u32 $0xD0000000, s2;
	s6 =	simm.s32 $0x108;
	_ =	swait.ge @!p0 [sflag:s8], $0x0  }
0x24: {  	s3 =	sadd.s32 $0x88, s3;
	s6 =	simm.s32 @!p1 $0x1082;
	[sflag:s4] =	ssyncset.s32 $0xFFFFF086  }
0x25: {  	[simem:s6], [sflag:s4] =	dma.local [hbm:s3], $0xF7A  }
0x26: {  	[smem:$0x3F9D] =	sst s1;
	(tag) =	ssettag s2;
	_ =	strace s9  }
0x27: {  	s1 =	sld [smem:$0x3FAD]  }
0x28: {  	s2 =	sld [smem:$0x3FAE]  }
0x29: {  	s4 =	sld [smem:$0x3FB0]  }
0x2a: {  	p0 =	seq.s32 s5, $0x0;
	s5 =	sld [smem:$0x3FB1]  }
0x2b: {  	s6 =	sld [smem:$0x3FB2]  }
0x2c: {  	s7 =	sld [smem:$0x3FB3]  }
0x2d: {  	s3 =	simm.s32 $0x108;
	s8 =	sld [smem:$0x3FB4]  }
0x2e: {  	s3 =	simm.s32 @!p0 $0x1082;
	s9 =	sld [smem:$0x3FB5]  }
0x2f: {  	lr =	sadd.s32 s0, s3;
	s0 =	sld [smem:$0x3FAC]  }
0x30: {  	s3 =	sld [smem:$0x3FAF]  }
0x31: {  	[smem:$0x3FB8] =	sst s10  }
0x32: {  	s10 =	sld [smem:$0x3FB6];
	_ =	sdelay $0x3  }
0x33: {  	p0 =	seq.s32 s10, $0x1;
	s10 =	sld [smem:$0x3FB8];
	_ =	sdelay $0x3  }
0x34: {  	[smem:$0x3FB8] =	sst s10  }
0x35: {  	s10 =	sld [smem:$0x3FB7];
	_ =	sdelay $0x3  }
0x36: {  	p1 =	seq.s32 s10, $0x1;
	s10 =	sld [smem:$0x3FB8];
	_ =	sdelay $0x3  }
0x37: {  	[smem:$0x3FB8] =	sst s10  }
0x38: {  	s10 =	sld [smem:$0x3FB9]  }
0x39: {  	_ = 	snop;
	(pc) =	sbr.ind lr, $3  }
0x3a: {  	_ = 	snop  }
0x3b: {  	_ = 	snop  }
0x3c: {  	p2 =	seq.s32 s10, $0x1;
	s10 =	sld [smem:$0x3FB8]  }
0x3d: {  	_ =	shalt  }
0x3e: {  	_ =	shalt  }
0x3f: {  	_ =	shalt  }
0x40: {  	_ =	shalt  }
0x41: {  	_ =	shalt  }
0x42: {  	_ =	shalt  }
0x43: {  	_ =	shalt  }
0x44: {  	_ =	shalt  }
0x45: {  	_ =	shalt  }
0x46: {  	_ =	shalt  }
0x47: {  	_ =	shalt  }
0x48: {  	_ =	shalt  }
0x49: {  	_ =	shalt  }
0x4a: {  	_ =	shalt  }
0x4b: {  	_ =	shalt  }
0x4c: {  	_ =	shalt  }
0x4d: {  	_ =	shalt  }
0x4e: {  	_ =	shalt  }
0x4f: {  	_ =	shalt  }
0x50: {  	_ =	shalt  }
0x51: {  	_ =	shalt  }
0x52: {  	_ =	shalt  }
0x53: {  	_ =	shalt  }
0x54: {  	_ =	shalt  }
0x55: {  	_ =	shalt  }
0x56: {  	_ =	shalt  }
0x57: {  	_ =	shalt  }
0x58: {  	_ =	shalt  }
0x59: {  	_ =	shalt  }
0x5a: {  	_ =	shalt  }
0x5b: {  	_ =	shalt  }
0x5c: {  	_ =	shalt  }
0x5d: {  	_ =	shalt  }
0x5e: {  	_ =	shalt  }
0x5f: {  	_ =	shalt  }
0x60: {  	_ =	shalt  }
0x61: {  	_ =	shalt  }
0x62: {  	_ =	shalt  }
0x63: {  	_ =	shalt  }
0x64: {  	_ =	shalt  }
0x65: {  	_ =	shalt  }
0x66: {  	_ =	shalt  }
0x67: {  	_ =	shalt  }
0x68: {  	_ =	shalt  }
0x69: {  	_ =	shalt  }
0x6a: {  	_ =	shalt  }
0x6b: {  	_ =	shalt  }
0x6c: {  	_ =	shalt  }
0x6d: {  	_ =	shalt  }
0x6e: {  	_ =	shalt  }
0x6f: {  	_ =	shalt  }
0x70: {  	_ =	shalt  }
0x71: {  	_ =	shalt  }
0x72: {  	_ =	shalt  }
0x73: {  	_ =	shalt  }
0x74: {  	_ =	shalt  }
0x75: {  	_ =	shalt  }
0x76: {  	_ =	shalt  }
0x77: {  	_ =	shalt  }
0x78: {  	_ =	shalt  }
0x79: {  	_ =	shalt  }
0x7a: {  	_ =	shalt  }
0x7b: {  	_ =	shalt  }
0x7c: {  	_ =	shalt  }
0x7d: {  	_ =	shalt  }
0x7e: {  	_ =	shalt  }
0x7f: {  	_ =	shalt  }
0x80: {  	_ =	shalt  }
0x81: {  	_ =	shalt  }
0x82: {  	_ =	shalt  }
0x83: {  	_ =	shalt  }
0x84: {  	_ =	shalt  }
0x85: {  	_ =	shalt  }
0x86: {  	_ =	shalt  }
0x87: {  	_ =	shalt  }
.Lfunc_end0:
.L_simem_size_0:
called_computation.1_lowered:
.L_overlay_start_0:
0x88: {  	s2 =	sld [smem:$0x3FD9]  }
0x89: {  	s3 =	sld [smem:$0x3FFE];
	_ =	sdelay $0x1  }
0x8a: {  	s1 =	srdreg.scid  }
0x8b: {  	s0 =	sand.u32 $0x1, s1  }
0x8c: {  	s17 =	sshll.u32 s0, $0xA;
	s2 =	sadd.s32 s3, s2  }
0x8d: {  	s2 =	sadd.s32 s2, s17  }
0x8e: {  	[smem:$0x3FC4] =	sst s2  }
0x8f: {  	_ = 	snop  }
0x90: {  	s2 =	sld [smem:$0x3FD0];
	(tm) =	ssettm $0x1  }
0x91: {  	s18 =	sld [smem:$0x3FFB];
	_ =	sdelay $0x3  }
0x92: {  	_ =	strace s18  }
0x93: {  	s3 =	sld [smem:$0x3FFC];
	_ =	sdelay $0x3  }
0x94: {  	_ =	strace s3  }
0x95: {  	s3 =	sld [smem:$0x3FFD];
	_ =	sdelay $0x3  }
0x96: {  	_ =	strace s3  }
0x97: {  	_ =	strace $0x8FFFFFFF  }
0x98: {  	s19 =	sld [smem:$0x3FDB];
	_ =	sdelay $0x1  }
0x99: {  	s4 =	simm.s32 $_scs_section_size  }
0x9a: {  	s5 =	simm.s32 $_size__tile_overlayer_lowered;
	s6 =	simm.s32 $_tile_overlayer_lowered  }
0x9b: {  	s22 =	simm.s32 $0x1BFF;
	s21 =	sshll.u32 s6, $0x1;
	s3 =	sadd.s32 s4, s19  }
0x9c: {  	s7 =	simm.s32 $0x0;
	s20 =	sshll.u32 s5, $0x1;
	s5 =	sadd.s32 s21, s3  }
0x9d: {  	[timem:s7], [sflag:s22] =	dma.local [hbm:s5], s20  }
0x9e: {  	_ =	swait.ge [sflag:s22], s20  }
0x9f: {  	s4 =	ssub.s32 $0x0, s20;
	[sflag:s22] =	ssyncset.done $0x0  }
0xa0: {  	[sflag:s22] =	ssyncadd.s32 s4;
	_ =	sdelay $0x1  }
0xa1: {  	s23 =	simm.s32 $0x1B8B  }
0xa2: {  	_ =	swait.ge [sflag:s23], $0x1  }
0xa3: {  	[sflag:s23] =	ssyncset.done $0x0  }
0xa4: {  	s25 =	simm.s32 $0x1B8E;
	s24 =	sld [smem:$0x3FFE];
	[sflag:s23] =	ssyncadd.s32 $0xFFFFFFFF  }
0xa5: {  	s26 =	simm.s32 $execute0_lowered;
	[smem:$0x3FD2] =	sst s25  }
0xa6: {  	s5 =	sshll.u32 s26, $0x1;
	_ =	strace $0x80000049;
	[dreg:$0x1] =	wrdreg $0xFFFFFFFF  }
0xa7: {  	s28 =	simm.s32 $_size_execute0_lowered;
	s3 =	sadd.s32 s3, s5;
	[dreg:$0x0] =	wrdreg $0x0  }
0xa8: {  	s5 =	sshll.u32 s28, $0x1;
	[dreg:$0x2] =	wrdreg s3  }
0xa9: {  	[dreg:$0x3] =	wrdreg s5  }
0xaa: {  	[dreg:$0x4] =	wrdreg $0xC0  }
0xab: {  	_ =	task [dreg:s7], $0x5FFFF  }
0xac: {  	[dreg:$0x1] =	wrdreg $0xFFFFFFFF  }
0xad: {  	[dreg:$0x0] =	wrdreg $0x60  }
0xae: {  	[dreg:$0x2] =	wrdreg s2  }
0xaf: {  	[dreg:$0x3] =	wrdreg s24  }
0xb0: {  	[dreg:$0x4] =	wrdreg $0x0  }
0xb1: {  	[dreg:$0x5] =	wrdreg $0x18800  }
0xb2: {  	[dreg:$0x6] =	wrdreg $0x31000  }
0xb3: {  	[dreg:$0x7] =	wrdreg $0x49800  }
0xb4: {  	[dreg:$0x8] =	wrdreg $0x62000  }
0xb5: {  	[dreg:$0x9] =	wrdreg $0x7A800  }
0xb6: {  	[dreg:$0xa] =	wrdreg $0x93000  }
0xb7: {  	[dreg:$0xb] =	wrdreg $0xAB800  }
0xb8: {  	[dreg:$0xc] =	wrdreg $0x9  }
0xb9: {  	_ =	task.clear_ibuf [dreg:s7], $0xDFFFF;
	_ =	strace $0x90000049  }
0xba: {  	s29 =	simm.s32 $0x9;
	_ =	strace $0x8000004B  }
0xbb: {  	_ =	swait.ge [sflag:s29], $0x1  }
0xbc: {  	[sflag:s29] =	ssyncadd.s32 $0xFFFFFFFF  }
0xbd: {  	_ =	strace $0x9000004B  }
0xbe: {  	_ =	sfence  }
0xbf: {  	s30 =	sld [smem:$0x0];
	_ =	sdelay $0x2  }
0xc0: {  	s31 =	sshll.u32 s1, $0xD;
	s1 =	sshrl.u32 s1, $0x2  }
0xc1: {  	s3 =	sand.u32 $0x4000, s31;
	s1 =	sadd.s32 s1, s30  }
0xc2: {  	s0 =	sor.u32 s3, s0;
	s1 =	sshll.u32 s1, $0x11  }
0xc3: {  	s0 =	sor.u32 s1, s0  }
0xc4: {  	s0 =	sadd.s32 $0x8F2B, s0  }
0xc5: {  	[sflag:s0] =	ssyncadd.remote.s32 $0x1  }
0xc6: {  	_ =	sfence.sel $0xFFFF  }
0xc7: {  	[dreg:$0x0] =	wrdreg $0xFFFFFFFF;
	(pc) =	sbr.abs _section_cstart, $3  }
0xc8: {  	[dreg:$0x1] =	wrdreg $0xFFFFFFFF  }
0xc9: {  	_ =	task.clear_ibuf [dreg:s7], $0x2FFFF;
	_ =	strace $0x9FFFFFFF  }
0xca: {  	(tm) =	ssettm $0x7FFFFFFF  }
0xcb: {  	_ =	shalt  }
tec
execute0_lowered:
.L_overlay_start_1:
0x0: {  	(tag) =	ssettag $0x1  }
0x1: {  	s0 =	rddreg [dreg:$0x0]  }
0x2: {  	s2 =	rddreg [dreg:$0x1]  }
0x3: {  	s1 =	rddreg [dreg:$0x3]  }
0x4: {  	s3 =	rddreg [dreg:$0x4]  }
0x5: {  	s4 =	rddreg [dreg:$0x5]  }
0x6: {  	s5 =	rddreg [dreg:$0x6]  }
0x7: {  	s8 =	rddreg [dreg:$0x7]  }
0x8: {  	s9 =	rddreg [dreg:$0x8]  }
0x9: {  	s17 =	rddreg [dreg:$0x9]  }
0xa: {  	s10 =	simm.s32 $0x0;
	s6 =	stileid.u32;
	s7 =	simm.s32 $0x0  }
0xb: {  	s11 =	srdreg.scid;
	s28 =	simm.s32 $0x4;
	[dreg:$0xb] =	wrdreg s0  }
0xc: {  	s29 =	simm.s32 $0x5;
	s30 =	simm.s32 $0x6;
	s0 =	rddreg [dreg:$0x2]  }
0xd: {  	s31 =	simm.s32 $0x7;
	[dreg:$0xe] =	wrdreg s7;
	s15 =	smul.u32 $0x620, s6  }
0xe: {  	[smem:$0x7FF] =	sst s10;
	s16 =	smul.u32 $0x6200, s6;
	s12 =	sadd.s32 $0x600, s2  }
0xf: {  	s13 =	smul.u32 $0x1880, s6;
	s11 =	sand.u32 $0x1, s11;
	s22 =	sshll.u32 s6, $0x6  }
0x10: {  	_ =	strace $0x8000004A;
	[dreg:$0xc] =	wrdreg s12;
	s14 =	smul.u32 $0x62000, s11  }
0x11: {  	s19 =	ssub.s32 $0x2, s11;
	s11 =	sshll.u32 s11, $0x4;
	s18 =	sshrl.u32 s16, $0x3  }
0x12: {  	s7 =	sadd.s32 s15, s2;
	s15 =	sshrl.u32 s13, $0x3;
	s20 =	sadd.s32 s13, s0  }
0x13: {  	s11 =	sor.u32 s6, s11;
	s23 =	sadd.s32 s13, s1;
	[dreg:$0xf] =	wrdreg s20  }
0x14: {  	s25 =	sadd.s32 s13, s4;
	s12 =	sadd.s32 s18, s2;
	[dreg:$0x12] =	wrdreg s23  }
0x15: {  	s15 =	sadd.s32 s15, s2;
	[dreg:$0x14] =	wrdreg s25;
	s26 =	sadd.s32 $0x48A00, s7  }
0x16: {  	s10 =	sadd.s32 s16, s14;
	s4 =	sadd.s32 $0x48A10, s7;
	[dreg:$0x15] =	wrdreg s26  }
0x17: {  	s16 =	sshrl.u32 s19, $0x1;
	s20 =	sadd.s32 s13, s8;
	[dreg:$0x16] =	wrdreg s4  }
0x18: {  	s11 =	smul.u32 $0x11400, s11;
	s21 =	sadd.s32 $0x45800, s15;
	[dreg:$0x1c] =	wrdreg s20  }
0x19: {  	s10 =	sshrl.u32 s10, $0x3;
	s6 =	sadd.s32 $0x4EC00, s12;
	[dreg:$0x10] =	wrdreg s21  }
0x1a: {  	s15 =	sor.u32 $0x1C09, s22;
	s7 =	sadd.s32 $0x4EC10, s12;
	[dreg:$0x17] =	wrdreg s6  }
0x1b: {  	s14 =	sadd.s32 $0x4EC20, s12;
	s18 =	sadd.s32 $0x4EC30, s12;
	[dreg:$0x18] =	wrdreg s7  }
0x1c: {  	s22 =	sadd.s32 s13, s17;
	s20 =	simm.s32 $0xB80;
	[dreg:$0xd] =	wrdreg s11  }
0x1d: {  	s2 =	sadd.s32 s10, s2;
	s10 =	ssub.s32 s19, s16;
	[dreg:$0x19] =	wrdreg s14  }
0x1e: {  	s16 =	smov.u32 s3;
	[dreg:$0x1a] =	wrdreg s18;
	s19 =	sadd.s32 s13, s5  }
0x1f: {  	s3 =	smov.u32 s17;
	s6 =	smov.u32 s9;
	s21 =	sadd.s32 s13, s9  }
0x20: {  	[dreg:$0x1e] =	wrdreg s22;
	s7 =	simm.s32 $0x9;
	s11 =	simm.s32 $0x80  }
0x21: {  	s17 =	simm.s32 $0x400;
	s18 =	simm.s32 $0xC400;
	[dreg:$0x11] =	wrdreg s15  }
0x22: {  	s14 =	simm.s32 $0x2;
	s22 =	simm.s32 $0xDB00;
	[dreg:$0x1b] =	wrdreg s19  }
0x23: {  	s24 =	sadd.s32 s13, s16;
	[dreg:$0x1d] =	wrdreg s21;
	s23 =	sadd.s32 $0x5B000, s2  }
0x24: {  	s25 =	sadd.s32 $0x5B020, s2;
	s26 =	smax.u32 s10, $0x1;
	[dreg:$0x13] =	wrdreg s24  }
0x25: {  	s13 =	simm.s32 $0x12180;
	s21 =	simm.s32 $0x200;
	[dreg:$0x1f] =	wrdreg s23  }
0x26: {  	s19 =	simm.s32 $0xCF80;
	s24 =	sadd.s32 $0x5B010, s2;
	[smem:$0x7FB] =	sst s25  }
0x27: {  	s2 =	sadd.s32 $0x5B030, s2;
	[smem:$0x7FD] =	sst s26;
	s25 =	simm.s32 $0x1  }
0x28: {  	s26 =	simm.s32 $0x3;
	s23 =	simm.s32 $0xE680;
	[smem:$0x7FA] =	sst s24  }
0x29: {  	[smem:$0x7FC] =	sst s2;
	s2 =	simm.s32 $0x8;
	s24 =	simm.s32 $0xF200  }
.LBB2_1:
0x2a: {  	s4 =	rddreg [dreg:$0xf]  }
0x2b: {  	s5 =	sshrl.u32 s4, $0x3;
	s4 =	rddreg [dreg:$0x10]  }
0x2c: {  	[smem:$0x7F6] =	sst s5  }
0x2d: {  	[spmem:s5], [sflag:s15] =	dma.local [hbm:s4], $0x310  }
0x2e: {  	_ =	swait.ge [sflag:s7], $0x310  }
0x2f: {  	s9 =	smov.u32 s3;
	s3 =	smov.u32 s8;
	s8 =	rddreg [dreg:$0x12]  }
0x30: {  	[sflag:s7] =	ssyncset.done $0x0;
	s5 =	sshrl.u32 s8, $0x3  }
0x31: {  	[sflag:s7] =	ssyncadd.s32 $0xFFFFFCF0;
	[smem:$0x7F7] =	sst s5  }
0x32: {  	[spmem:s5], [sflag:s15] =	dma.local [hbm:s4], $0x310  }
0x33: {  	_ =	swait.ge [sflag:s7], $0x310  }
0x34: {  	s10 =	rddreg [dreg:$0x13]  }
0x35: {  	[sflag:s7] =	ssyncset.done $0x0;
	s5 =	sshrl.u32 s10, $0x3  }
0x36: {  	[sflag:s7] =	ssyncadd.s32 $0xFFFFFCF0;
	[smem:$0x7F8] =	sst s5  }
0x37: {  	[spmem:s5], [sflag:s15] =	dma.local [hbm:s4], $0x310  }
0x38: {  	_ =	swait.ge [sflag:s7], $0x310  }
0x39: {  	s12 =	rddreg [dreg:$0x14]  }
0x3a: {  	[sflag:s7] =	ssyncset.done $0x0;
	s5 =	sshrl.u32 s12, $0x3  }
0x3b: {  	[sflag:s7] =	ssyncadd.s32 $0xFFFFFCF0;
	[smem:$0x7F9] =	sst s5  }
0x3c: {  	[spmem:s5], [sflag:s15] =	dma.local [hbm:s4], $0x310  }
0x3d: {  	_ =	swait.ge [sflag:s7], $0x310  }
0x3e: {  	s10 =	simm.s32 $0x100;
	[sflag:s7] =	ssyncset.done $0x0  }
0x3f: {  	s12 =	simm.s32 $0x10900;
	s8 =	rddreg [dreg:$0x15];
	[sflag:s7] =	ssyncadd.s32 $0xFFFFFCF0  }
0x40: {  	[tilespmem:s12], [sflag:$0x9] =	stream.strided.gather [hbm4b:s8+s11], $0x1880, s10, s11, $0x38;
	[tilespmem:$0x13A00] =	vst v63  }
0x41: {  	_ =	swait.ge [sflag:s7], $0x1880  }
0x42: {  	[sflag:s7] =	ssyncset.done $0x0  }
0x43: {  	s15 =	rddreg [dreg:$0x16];
	[sflag:s7] =	ssyncadd.s32 $0xFFFFE780  }
0x44: {  	[tilespmem:s13], [sflag:$0x9] =	stream.strided.gather [hbm4b:s15+s11], $0x1880, s10, s11, $0x38;
	[tilespmem:$0x13A00] =	vst v63  }
0x45: {  	_ =	swait.ge [sflag:s7], $0x1880  }
0x46: {  	[sflag:s7] =	ssyncset.done $0x0  }
0x47: {  	s12 =	simm.s32 $0x0;
	[sflag:s7] =	ssyncadd.s32 $0xFFFFE780  }
0x48: {  	s15 =	simm.s32 $0x40;
	v0 =	vld [tilespmem:s12+$0x12180]  }
.LBB2_2:
0x49: {  	p0 =	sne.s32 s15, $0x61C0;
	v1 =	vld [tilespmem:s12+$0x10900];
	_ =	sdelay $0x4  }
0x4a: {  	v0 =	vadd.f32 v0, v1;
	_ =	sdelay $0x1  }
0x4b: {  	v0 =	vadd.f32 $1.000000000e+00, v0;
	_ =	sdelay $0x1  }
0x4c: {  	v1 =	vshrl.u32 v0, $0x1;
	v0 =	vmul.f32 $5.000000000e-01, v0  }
0x4d: {  	v1 =	vsub.s32 $0x5F3759DF, v1  }
0x4e: {  	v2 =	vmul.f32 v1, v0;
	_ =	sdelay $0x1  }
0x4f: {  	v2 =	vmul.f32 v1, v2;
	_ =	sdelay $0x1  }
0x50: {  	v2 =	vsub.f32 $1.500000000e+00, v2;
	_ =	sdelay $0x1  }
0x51: {  	v1 =	vmul.f32 v1, v2;
	_ =	sdelay $0x1  }
0x52: {  	v2 =	vmul.f32 v1, v0;
	_ =	sdelay $0x1  }
0x53: {  	v2 =	vmul.f32 v2, v1;
	_ =	sdelay $0x1  }
0x54: {  	v2 =	vsub.f32 $1.500000000e+00, v2;
	_ =	sdelay $0x1  }
0x55: {  	v1 =	vmul.f32 v2, v1;
	_ =	sdelay $0x1  }
0x56: {  	v0 =	vmul.f32 v1, v0;
	_ =	sdelay $0x1  }
0x57: {  	v0 =	vmul.f32 v0, v1;
	_ =	sdelay $0x1  }
.Ltmp0:
0x58: {  	v0 =	vsub.f32 $1.500000000e+00, v0;
	(pc) =	sbr.rel @p0 .LBB2_2-.Ltmp0, $4  }
0x59: {  	_ = 	snop  }
0x5a: {  	v1 =	vmul.f32 v0, v1  }
0x5b: {  	s10 =	sshra.s32 s15, $0x2  }
0x5c: {  	s15 =	sadd.s32 $0x40, s15;
	v0 =	vld [tilespmem:s10+$0x12180];
	[tilespmem:s12+$0x10900] =	vst v1;
	s12 =	smov.u32 s10  }
0x5d: {  	v1 =	vld [tilespmem:s12+$0x10900];
	_ =	sdelay $0x4  }
0x5e: {  	v0 =	vadd.f32 v0, v1;
	_ =	sdelay $0x1  }
0x5f: {  	v0 =	vadd.f32 $1.000000000e+00, v0;
	_ =	sdelay $0x1  }
0x60: {  	v1 =	vshrl.u32 v0, $0x1;
	v0 =	vmul.f32 $5.000000000e-01, v0  }
0x61: {  	v1 =	vsub.s32 $0x5F3759DF, v1  }
0x62: {  	v2 =	vmul.f32 v1, v0;
	_ =	sdelay $0x1  }
0x63: {  	v2 =	vmul.f32 v1, v2;
	_ =	sdelay $0x1  }
0x64: {  	v2 =	vsub.f32 $1.500000000e+00, v2;
	_ =	sdelay $0x1  }
0x65: {  	v1 =	vmul.f32 v1, v2;
	_ =	sdelay $0x1  }
0x66: {  	v2 =	vmul.f32 v1, v0;
	_ =	sdelay $0x1  }
0x67: {  	v2 =	vmul.f32 v2, v1;
	_ =	sdelay $0x1  }
0x68: {  	v2 =	vsub.f32 $1.500000000e+00, v2;
	_ =	sdelay $0x1  }
0x69: {  	v1 =	vmul.f32 v2, v1;
	_ =	sdelay $0x1  }
0x6a: {  	v0 =	vmul.f32 v1, v0;
	_ =	sdelay $0x1  }
0x6b: {  	v0 =	vmul.f32 v0, v1;
	_ =	sdelay $0x1  }
0x6c: {  	v0 =	vsub.f32 $1.500000000e+00, v0;
	_ =	sdelay $0x1  }
0x6d: {  	v0 =	vmul.f32 v0, v1;
	_ =	sdelay $0x1  }
0x6e: {  	s4 =	rddreg [dreg:$0x17];
	[tilespmem:s12+$0x10900] =	vst v0  }
0x6f: {  	[tilespmem:s13], [sflag:$0x9] =	stream.strided.gather [hbm4b:s4+s11], $0x1880, s21, s11, $0x38;
	[tilespmem:$0x13A00] =	vst v63  }
0x70: {  	_ =	swait.ge [sflag:s7], $0x1880  }
0x71: {  	[sflag:s7] =	ssyncset.done $0x0  }
0x72: {  	[sflag:s7] =	ssyncadd.s32 $0xFFFFE780  }
0x73: {  	s12 =	simm.s32 $0x0;
	s4 =	rddreg [dreg:$0x5]  }
0x74: {  	s15 =	simm.s32 $0x40;
	v0 =	vld [tilespmem:s12+$0x10900];
	s5 =	rddreg [dreg:$0x6]  }
.LBB2_4:
0x75: {  	p0 =	sne.s32 s15, $0x61C0;
	v1 =	vld [tilespmem:s12+$0x12180];
	_ =	sdelay $0x2  }
.Ltmp1:
0x76: {  	(pc) =	sbr.rel @p0 .LBB2_4-.Ltmp1, $4  }
0x77: {  	_ = 	snop  }
0x78: {  	v1 =	vmul.f32 v0, v1  }
0x79: {  	s10 =	sshra.s32 s15, $0x2  }
0x7a: {  	s15 =	sadd.s32 $0x40, s15;
	v0 =	vld [tilespmem:s10+$0x10900];
	[tilespmem:s12+$0x12180] =	vst v1;
	s12 =	smov.u32 s10  }
0x7b: {  	v1 =	vld [tilespmem:s12+$0x12180];
	_ =	sdelay $0x4  }
0x7c: {  	v0 =	vmul.f32 v0, v1;
	_ =	sdelay $0x1  }
0x7d: {  	s8 =	rddreg [dreg:$0x1b];
	[tilespmem:s12+$0x12180] =	vst v0  }
0x7e: {  	[spmem:s8] =	stream.linear.scatter [tilespmem:s13], [sflag:$0x9], $0x1880, $0x38;
	[tilespmem:$0x13A00] =	vst v63  }
0x7f: {  	_ =	swait.ge [sflag:s7], $0x1880  }
0x80: {  	[sflag:s7] =	ssyncset.done $0x0  }
0x81: {  	s15 =	rddreg [dreg:$0x18];
	[sflag:s7] =	ssyncadd.s32 $0xFFFFE780  }
0x82: {  	[tilespmem:s13], [sflag:$0x9] =	stream.strided.gather [hbm4b:s15+s11], $0x1880, s21, s11, $0x38;
	[tilespmem:$0x13A00] =	vst v63  }
0x83: {  	_ =	swait.ge [sflag:s7], $0x1880  }
0x84: {  	[sflag:s7] =	ssyncset.done $0x0  }
0x85: {  	s12 =	simm.s32 $0x0;
	[sflag:s7] =	ssyncadd.s32 $0xFFFFE780  }
0x86: {  	s15 =	simm.s32 $0x40;
	v0 =	vld [tilespmem:s12+$0x10900]  }
.LBB2_6:
0x87: {  	p0 =	sne.s32 s15, $0x61C0;
	v1 =	vld [tilespmem:s12+$0x12180];
	_ =	sdelay $0x2  }
.Ltmp2:
0x88: {  	(pc) =	sbr.rel @p0 .LBB2_6-.Ltmp2, $4  }
0x89: {  	_ = 	snop  }
0x8a: {  	v1 =	vmul.f32 v0, v1  }
0x8b: {  	s10 =	sshra.s32 s15, $0x2  }
0x8c: {  	s15 =	sadd.s32 $0x40, s15;
	v0 =	vld [tilespmem:s10+$0x10900];
	[tilespmem:s12+$0x12180] =	vst v1;
	s12 =	smov.u32 s10  }
0x8d: {  	v1 =	vld [tilespmem:s12+$0x12180];
	_ =	sdelay $0x4  }
0x8e: {  	v0 =	vmul.f32 v0, v1;
	_ =	sdelay $0x1  }
0x8f: {  	s8 =	rddreg [dreg:$0x1c];
	[tilespmem:s12+$0x12180] =	vst v0  }
0x90: {  	[spmem:s8] =	stream.linear.scatter [tilespmem:s13], [sflag:$0x9], $0x1880, $0x38;
	[tilespmem:$0x13A00] =	vst v63  }
0x91: {  	_ =	swait.ge [sflag:s7], $0x1880  }
0x92: {  	[sflag:s7] =	ssyncset.done $0x0  }
0x93: {  	s15 =	rddreg [dreg:$0x19];
	[sflag:s7] =	ssyncadd.s32 $0xFFFFE780  }
0x94: {  	[tilespmem:s13], [sflag:$0x9] =	stream.strided.gather [hbm4b:s15+s11], $0x1880, s21, s11, $0x38;
	[tilespmem:$0x13A00] =	vst v63  }
0x95: {  	_ =	swait.ge [sflag:s7], $0x1880  }
0x96: {  	[sflag:s7] =	ssyncset.done $0x0  }
0x97: {  	s12 =	simm.s32 $0x0;
	[sflag:s7] =	ssyncadd.s32 $0xFFFFE780  }
0x98: {  	s15 =	simm.s32 $0x40;
	v0 =	vld [tilespmem:s12+$0x10900]  }
.LBB2_8:
0x99: {  	p0 =	sne.s32 s15, $0x61C0;
	v1 =	vld [tilespmem:s12+$0x12180];
	_ =	sdelay $0x2  }
.Ltmp3:
0x9a: {  	(pc) =	sbr.rel @p0 .LBB2_8-.Ltmp3, $4  }
0x9b: {  	_ = 	snop  }
0x9c: {  	v1 =	vmul.f32 v0, v1  }
0x9d: {  	s10 =	sshra.s32 s15, $0x2  }
0x9e: {  	s15 =	sadd.s32 $0x40, s15;
	v0 =	vld [tilespmem:s10+$0x10900];
	[tilespmem:s12+$0x12180] =	vst v1;
	s12 =	smov.u32 s10  }
0x9f: {  	v1 =	vld [tilespmem:s12+$0x12180];
	_ =	sdelay $0x4  }
0xa0: {  	v0 =	vmul.f32 v0, v1;
	_ =	sdelay $0x1  }
0xa1: {  	s8 =	rddreg [dreg:$0x1d];
	[tilespmem:s12+$0x12180] =	vst v0  }
0xa2: {  	[spmem:s8] =	stream.linear.scatter [tilespmem:s13], [sflag:$0x9], $0x1880, $0x38;
	[tilespmem:$0x13A00] =	vst v63  }
0xa3: {  	_ =	swait.ge [sflag:s7], $0x1880  }
0xa4: {  	[sflag:s7] =	ssyncset.done $0x0  }
0xa5: {  	s15 =	rddreg [dreg:$0x1a];
	[sflag:s7] =	ssyncadd.s32 $0xFFFFE780  }
0xa6: {  	[tilespmem:s13], [sflag:$0x9] =	stream.strided.gather [hbm4b:s15+s11], $0x1880, s21, s11, $0x38;
	[tilespmem:$0x13A00] =	vst v63  }
0xa7: {  	_ =	swait.ge [sflag:s7], $0x1880  }
0xa8: {  	[sflag:s7] =	ssyncset.done $0x0  }
0xa9: {  	s12 =	simm.s32 $0x0;
	[sflag:s7] =	ssyncadd.s32 $0xFFFFE780  }
0xaa: {  	s15 =	simm.s32 $0x40;
	v0 =	vld [tilespmem:s12+$0x10900]  }
.LBB2_10:
0xab: {  	p0 =	sne.s32 s15, $0x61C0;
	v1 =	vld [tilespmem:s12+$0x12180];
	_ =	sdelay $0x2  }
.Ltmp4:
0xac: {  	(pc) =	sbr.rel @p0 .LBB2_10-.Ltmp4, $4  }
0xad: {  	_ = 	snop  }
0xae: {  	v1 =	vmul.f32 v0, v1  }
0xaf: {  	s10 =	sshra.s32 s15, $0x2  }
0xb0: {  	s15 =	sadd.s32 $0x40, s15;
	v0 =	vld [tilespmem:s10+$0x10900];
	[tilespmem:s12+$0x12180] =	vst v1;
	s12 =	smov.u32 s10  }
0xb1: {  	v1 =	vld [tilespmem:s12+$0x12180];
	_ =	sdelay $0x4  }
0xb2: {  	v0 =	vmul.f32 v0, v1;
	_ =	sdelay $0x1  }
0xb3: {  	s8 =	rddreg [dreg:$0x1e];
	[tilespmem:s12+$0x12180] =	vst v0  }
0xb4: {  	[spmem:s8] =	stream.linear.scatter [tilespmem:s13], [sflag:$0x9], $0x1880, $0x38;
	[tilespmem:$0x13A00] =	vst v63  }
0xb5: {  	_ =	swait.ge [sflag:s7], $0x1880  }
0xb6: {  	[sflag:s7] =	ssyncset.done $0x0  }
0xb7: {  	s10 =	simm.s32 $0x0;
	[sflag:s7] =	ssyncadd.s32 $0xFFFFE780  }
0xb8: {  	s10 =	smul.u32 $0x5C00, s10;
	[bflag:$0x0] =	sbarrier.arrive $0xFFFF  }
0xb9: {  	s15 =	simm.s32 $0x0;
	s13 =	rddreg [dreg:$0xd]  }
0xba: {  	s21 =	sand.u32 $0x380, s15;
	s10 =	sadd.s32 s13, s10  }
0xbb: {  	s10 =	sor.u32 s21, s10  }
0xbc: {  	s8 =	rddreg [dreg:$0xb];
	s10 =	sshrl.u32 s10, $0x3  }
0xbd: {  	s15 =	sadd.s32 s8, s10  }
0xbe: {  	[tilespmem:s18], [sflag:$0x9] =	stream.strided.gather [hbm4b:s15+s11], $0xB80, s17, s11, $0x38;
	[tilespmem:$0x13A00] =	vst v63  }
0xbf: {  	_ =	swait.ge [sflag:s7], $0xB80  }
0xc0: {  	s21 =	rddreg [dreg:$0xc];
	[sflag:s7] =	ssyncset.done $0x0  }
0xc1: {  	[sflag:s7] =	ssyncadd.s32 $0xFFFFF480;
	s10 =	sadd.s32 s21, s10  }
0xc2: {  	[tilespmem:s19], [sflag:$0x9] =	stream.strided.gather [hbm4b:s10+s11], $0xB80, s17, s11, $0x38;
	[tilespmem:$0x13A00] =	vst v63  }
0xc3: {  	_ =	swait.ge [sflag:s7], $0xB80  }
0xc4: {  	[sflag:s7] =	ssyncset.done $0x0  }
0xc5: {  	[sflag:s7] =	ssyncadd.s32 $0xFFFFF480  }
0xc6: {  	[tilespmem:s22], [sflag:$0x1] =	stream.indirect.gather [spmem:s5], $0x1, s18, s20, $0xb8;
	[tilespmem:$0x13A00] =	vst v63  }
0xc7: {  	_ = 	snop  }
0xc8: {  	[tilespmem:s23], [sflag:$0x2] =	stream.indirect.gather [spmem:s3], $0x1, s18, s20, $0xb8;
	[tilespmem:$0x13A00] =	vst v63  }
0xc9: {  	_ = 	snop  }
0xca: {  	[tilespmem:s24], [sflag:$0x3] =	stream.indirect.gather [spmem:s6], $0x1, s18, s20, $0xb8;
	[tilespmem:$0x13A00] =	vst v63  }
0xcb: {  	s11 =	simm.s32 $0xFD80  }
0xcc: {  	[tilespmem:s11], [sflag:$0x4] =	stream.indirect.gather [spmem:s9], $0x1, s18, s20, $0xb8;
	[tilespmem:$0x13A00] =	vst v63  }
0xcd: {  	_ =	swait.ge [sflag:s25], $0xB80  }
0xce: {  	[sflag:s25] =	ssyncset.done $0x0  }
0xcf: {  	[sflag:s25] =	ssyncadd.s32 $0xFFFFF480  }
0xd0: {  	[spmem:s0] =	stream.indirect.scatter.add.f32 [tilespmem:s22], [sflag:$0x5], $0x1, s19, s20, $0xb8;
	[tilespmem:$0x13A00] =	vst v63  }
0xd1: {  	_ =	swait.ge [sflag:s14], $0xB80  }
0xd2: {  	[sflag:s14] =	ssyncset.done $0x0  }
0xd3: {  	[sflag:s14] =	ssyncadd.s32 $0xFFFFF480  }
0xd4: {  	[spmem:s1] =	stream.indirect.scatter.add.f32 [tilespmem:s23], [sflag:$0x6], $0x1, s19, s20, $0xb8;
	[tilespmem:$0x13A00] =	vst v63  }
0xd5: {  	_ =	swait.ge [sflag:s26], $0xB80  }
0xd6: {  	[sflag:s26] =	ssyncset.done $0x0  }
0xd7: {  	[sflag:s26] =	ssyncadd.s32 $0xFFFFF480  }
0xd8: {  	[spmem:s16] =	stream.indirect.scatter.add.f32 [tilespmem:s24], [sflag:$0x7], $0x1, s19, s20, $0xb8;
	[tilespmem:$0x13A00] =	vst v63  }
0xd9: {  	_ =	swait.ge [sflag:s28], $0xB80  }
0xda: {  	[sflag:s28] =	ssyncset.done $0x0  }
0xdb: {  	[sflag:s28] =	ssyncadd.s32 $0xFFFFF480  }
0xdc: {  	[spmem:s4] =	stream.indirect.scatter.add.f32 [tilespmem:s11], [sflag:$0x8], $0x1, s19, s20, $0xb8;
	[tilespmem:$0x13A00] =	vst v63  }
0xdd: {  	_ =	swait.ge [sflag:s29], $0xB80  }
0xde: {  	[sflag:s29] =	ssyncset.done $0x0  }
0xdf: {  	[sflag:s29] =	ssyncadd.s32 $0xFFFFF480  }
0xe0: {  	_ =	swait.ge [sflag:s30], $0xB80  }
0xe1: {  	[sflag:s30] =	ssyncset.done $0x0  }
0xe2: {  	[sflag:s30] =	ssyncadd.s32 $0xFFFFF480  }
0xe3: {  	s12 =	simm.s32 $0x2;
	s8 =	smov.u32 s3;
	_ =	swait.ge [sflag:s31], $0xB80  }
0xe4: {  	s15 =	simm.s32 $0x0;
	s21 =	simm.s32 $0x400;
	[sflag:s31] =	ssyncset.done $0x0  }
0xe5: {  	s17 =	simm.s32 $0x80;
	s3 =	smov.u32 s1;
	[sflag:s31] =	ssyncadd.s32 $0xFFFFF480  }
0xe6: {  	s1 =	smov.u32 s0;
	s4 =	smov.u32 s16;
	_ =	swait.ge [sflag:s2], $0xB80  }
0xe7: {  	s16 =	simm.s32 $0x80;
	s10 =	rddreg [dreg:$0xd];
	[sflag:s2] =	ssyncset.done $0x0  }
.LBB2_12:
0xe8: {  	s0 =	smul.u32 $0x5C00, s15;
	_ =	sdelay $0x1  }
0xe9: {  	s0 =	sadd.s32 s10, s0;
	s10 =	sand.u32 $0x380, s16  }
0xea: {  	s15 =	smov.u32 s12;
	s13 =	sadd.s32 $0x1, s12;
	s0 =	sor.u32 s10, s0  }
0xeb: {  	p0 =	sne.s32 s12, $0x10;
	s12 =	rddreg [dreg:$0xb];
	s0 =	sshrl.u32 s0, $0x3  }
0xec: {  	[sflag:s2] =	ssyncadd.s32 $0xFFFFF480;
	s12 =	sadd.s32 s12, s0  }
0xed: {  	[tilespmem:s18], [sflag:$0x9] =	stream.strided.gather [hbm4b:s12+s17], $0xB80, s21, s17, $0x38;
	[tilespmem:$0x13A00] =	vst v63  }
0xee: {  	_ =	swait.ge [sflag:s7], $0xB80  }
0xef: {  	s12 =	rddreg [dreg:$0xc];
	[sflag:s7] =	ssyncset.done $0x0  }
0xf0: {  	[sflag:s7] =	ssyncadd.s32 $0xFFFFF480;
	s0 =	sadd.s32 s12, s0  }
0xf1: {  	[tilespmem:s19], [sflag:$0x9] =	stream.strided.gather [hbm4b:s0+s17], $0xB80, s21, s17, $0x38;
	[tilespmem:$0x13A00] =	vst v63  }
0xf2: {  	_ =	swait.ge [sflag:s7], $0xB80  }
0xf3: {  	[sflag:s7] =	ssyncset.done $0x0  }
0xf4: {  	[sflag:s7] =	ssyncadd.s32 $0xFFFFF480  }
0xf5: {  	[tilespmem:s22], [sflag:$0x1] =	stream.indirect.gather [spmem:s5], $0x1, s18, s20, $0xb8;
	[tilespmem:$0x13A00] =	vst v63  }
0xf6: {  	_ = 	snop  }
0xf7: {  	[tilespmem:s23], [sflag:$0x2] =	stream.indirect.gather [spmem:s8], $0x1, s18, s20, $0xb8;
	[tilespmem:$0x13A00] =	vst v63  }
0xf8: {  	_ = 	snop  }
0xf9: {  	[tilespmem:s24], [sflag:$0x3] =	stream.indirect.gather [spmem:s6], $0x1, s18, s20, $0xb8;
	[tilespmem:$0x13A00] =	vst v63  }
0xfa: {  	_ = 	snop  }
0xfb: {  	[tilespmem:s11], [sflag:$0x4] =	stream.indirect.gather [spmem:s9], $0x1, s18, s20, $0xb8;
	[tilespmem:$0x13A00] =	vst v63  }
0xfc: {  	_ =	swait.ge [sflag:s25], $0xB80  }
0xfd: {  	[sflag:s25] =	ssyncset.done $0x0  }
0xfe: {  	[sflag:s25] =	ssyncadd.s32 $0xFFFFF480  }
0xff: {  	[spmem:s1] =	stream.indirect.scatter.add.f32 [tilespmem:s22], [sflag:$0x5], $0x1, s19, s20, $0xb8;
	[tilespmem:$0x13A00] =	vst v63  }
0x100: {  	_ =	swait.ge [sflag:s14], $0xB80  }
0x101: {  	[sflag:s14] =	ssyncset.done $0x0  }
0x102: {  	[sflag:s14] =	ssyncadd.s32 $0xFFFFF480  }
0x103: {  	[spmem:s3] =	stream.indirect.scatter.add.f32 [tilespmem:s23], [sflag:$0x6], $0x1, s19, s20, $0xb8;
	[tilespmem:$0x13A00] =	vst v63  }
0x104: {  	_ =	swait.ge [sflag:s26], $0xB80  }
0x105: {  	[sflag:s26] =	ssyncset.done $0x0  }
0x106: {  	[sflag:s26] =	ssyncadd.s32 $0xFFFFF480  }
0x107: {  	[spmem:s4] =	stream.indirect.scatter.add.f32 [tilespmem:s24], [sflag:$0x7], $0x1, s19, s20, $0xb8;
	[tilespmem:$0x13A00] =	vst v63  }
0x108: {  	_ =	swait.ge [sflag:s28], $0xB80  }
0x109: {  	[sflag:s28] =	ssyncset.done $0x0  }
0x10a: {  	[sflag:s28] =	ssyncadd.s32 $0xFFFFF480  }
0x10b: {  	s12 =	rddreg [dreg:$0x5]  }
0x10c: {  	[spmem:s12] =	stream.indirect.scatter.add.f32 [tilespmem:s11], [sflag:$0x8], $0x1, s19, s20, $0xb8;
	[tilespmem:$0x13A00] =	vst v63  }
0x10d: {  	_ =	swait.ge [sflag:s29], $0xB80  }
0x10e: {  	[sflag:s29] =	ssyncset.done $0x0  }
0x10f: {  	[sflag:s29] =	ssyncadd.s32 $0xFFFFF480  }
0x110: {  	_ =	swait.ge [sflag:s30], $0xB80  }
0x111: {  	[sflag:s30] =	ssyncset.done $0x0  }
0x112: {  	[sflag:s30] =	ssyncadd.s32 $0xFFFFF480  }
.Ltmp5:
0x113: {  	_ =	swait.ge [sflag:s31], $0xB80;
	(pc) =	sbr.rel @p0 .LBB2_12-.Ltmp5, $4  }
0x114: {  	[sflag:s31] =	ssyncset.done $0x0  }
0x115: {  	[sflag:s31] =	ssyncadd.s32 $0xFFFFF480  }
0x116: {  	s15 =	sshrl.u32 s15, $0x3;
	s16 =	sadd.s32 $0x80, s16;
	_ =	swait.ge [sflag:s2], $0xB80  }
0x117: {  	s12 =	smov.u32 s13;
	s10 =	rddreg [dreg:$0xd];
	[sflag:s2] =	ssyncset.done $0x0  }
0x118: {  	s0 =	smul.u32 $0x5C00, s15;
	_ =	sdelay $0x1  }
0x119: {  	s13 =	sand.u32 $0x380, s16;
	s0 =	sadd.s32 s10, s0  }
0x11a: {  	s0 =	sor.u32 s13, s0  }
0x11b: {  	s12 =	rddreg [dreg:$0xb];
	s0 =	sshrl.u32 s0, $0x3  }
0x11c: {  	[sflag:s2] =	ssyncadd.s32 $0xFFFFF480;
	s15 =	sadd.s32 s12, s0  }
0x11d: {  	[tilespmem:s18], [sflag:$0x9] =	stream.strided.gather [hbm4b:s15+s17], $0xB80, s21, s17, $0x38;
	[tilespmem:$0x13A00] =	vst v63  }
0x11e: {  	_ =	swait.ge [sflag:s7], $0xB80  }
0x11f: {  	s16 =	rddreg [dreg:$0xc];
	[sflag:s7] =	ssyncset.done $0x0  }
0x120: {  	s0 =	sadd.s32 s16, s0;
	[sflag:s7] =	ssyncadd.s32 $0xFFFFF480  }
0x121: {  	[tilespmem:s19], [sflag:$0x9] =	stream.strided.gather [hbm4b:s0+s17], $0xB80, s21, s17, $0x38;
	[tilespmem:$0x13A00] =	vst v63  }
0x122: {  	_ =	swait.ge [sflag:s7], $0xB80  }
0x123: {  	[sflag:s7] =	ssyncset.done $0x0  }
0x124: {  	[sflag:s7] =	ssyncadd.s32 $0xFFFFF480  }
0x125: {  	[tilespmem:s22], [sflag:$0x1] =	stream.indirect.gather [spmem:s5], $0x1, s18, s20, $0xb8;
	[tilespmem:$0x13A00] =	vst v63  }
0x126: {  	_ = 	snop  }
0x127: {  	[tilespmem:s23], [sflag:$0x2] =	stream.indirect.gather [spmem:s8], $0x1, s18, s20, $0xb8;
	[tilespmem:$0x13A00] =	vst v63  }
0x128: {  	_ = 	snop  }
0x129: {  	[tilespmem:s24], [sflag:$0x3] =	stream.indirect.gather [spmem:s6], $0x1, s18, s20, $0xb8;
	[tilespmem:$0x13A00] =	vst v63  }
0x12a: {  	_ = 	snop  }
0x12b: {  	[tilespmem:s11], [sflag:$0x4] =	stream.indirect.gather [spmem:s9], $0x1, s18, s20, $0xb8;
	[tilespmem:$0x13A00] =	vst v63  }
0x12c: {  	_ =	swait.ge [sflag:s25], $0xB80  }
0x12d: {  	[sflag:s25] =	ssyncset.done $0x0  }
0x12e: {  	[sflag:s25] =	ssyncadd.s32 $0xFFFFF480  }
0x12f: {  	[spmem:s1] =	stream.indirect.scatter.add.f32 [tilespmem:s22], [sflag:$0x5], $0x1, s19, s20, $0xb8;
	[tilespmem:$0x13A00] =	vst v63  }
0x130: {  	_ =	swait.ge [sflag:s14], $0xB80  }
0x131: {  	[sflag:s14] =	ssyncset.done $0x0  }
0x132: {  	[sflag:s14] =	ssyncadd.s32 $0xFFFFF480  }
0x133: {  	[spmem:s3] =	stream.indirect.scatter.add.f32 [tilespmem:s23], [sflag:$0x6], $0x1, s19, s20, $0xb8;
	[tilespmem:$0x13A00] =	vst v63  }
0x134: {  	_ =	swait.ge [sflag:s26], $0xB80  }
0x135: {  	[sflag:s26] =	ssyncset.done $0x0  }
0x136: {  	[sflag:s26] =	ssyncadd.s32 $0xFFFFF480  }
0x137: {  	[spmem:s4] =	stream.indirect.scatter.add.f32 [tilespmem:s24], [sflag:$0x7], $0x1, s19, s20, $0xb8;
	[tilespmem:$0x13A00] =	vst v63  }
0x138: {  	_ =	swait.ge [sflag:s28], $0xB80  }
0x139: {  	[sflag:s28] =	ssyncset.done $0x0  }
0x13a: {  	[sflag:s28] =	ssyncadd.s32 $0xFFFFF480  }
0x13b: {  	s12 =	rddreg [dreg:$0x5]  }
0x13c: {  	[spmem:s12] =	stream.indirect.scatter.add.f32 [tilespmem:s11], [sflag:$0x8], $0x1, s19, s20, $0xb8;
	[tilespmem:$0x13A00] =	vst v63  }
0x13d: {  	_ =	swait.ge [sflag:s29], $0xB80  }
0x13e: {  	[sflag:s29] =	ssyncset.done $0x0  }
0x13f: {  	[sflag:s29] =	ssyncadd.s32 $0xFFFFF480  }
0x140: {  	_ =	swait.ge [sflag:s30], $0xB80  }
0x141: {  	[sflag:s30] =	ssyncset.done $0x0  }
0x142: {  	[sflag:s30] =	ssyncadd.s32 $0xFFFFF480  }
0x143: {  	_ =	swait.ge [sflag:s31], $0xB80  }
0x144: {  	[sflag:s31] =	ssyncset.done $0x0  }
0x145: {  	[sflag:s31] =	ssyncadd.s32 $0xFFFFF480  }
0x146: {  	_ =	swait.ge [sflag:s2], $0xB80  }
0x147: {  	[sflag:s2] =	ssyncset.done $0x0  }
0x148: {  	[sflag:s2] =	ssyncadd.s32 $0xFFFFF480  }
0x149: {  	[bflag:$0x0] =	sbarrier.arrive $0xFFFF  }
0x14a: {  	s16 =	sld [smem:$0x7F6]  }
0x14b: {  	s15 =	rddreg [dreg:$0x11]  }
0x14c: {  	s10 =	simm.s32 $0x10;
	s5 =	simm.s32 $0x40;
	s13 =	rddreg [dreg:$0x1f]  }
0x14d: {  	[hbm:s13@s5], [sflag:s15] =	dma.strided [spmem:s16@s10], $0x310, s25, $0x10   }
0x14e: {  	_ =	swait.ge [sflag:s7], $0x310  }
0x14f: {  	s17 =	sld [smem:$0x7FA]  }
0x150: {  	s21 =	sld [smem:$0x7F7]  }
0x151: {  	[sflag:s7] =	ssyncset.done $0x0  }
0x152: {  	[sflag:s7] =	ssyncadd.s32 $0xFFFFFCF0  }
0x153: {  	[hbm:s17@s5], [sflag:s15] =	dma.strided [spmem:s21@s10], $0x310, s25, $0x10   }
0x154: {  	_ =	swait.ge [sflag:s7], $0x310  }
0x155: {  	s11 =	sld [smem:$0x7FB]  }
0x156: {  	s12 =	sld [smem:$0x7F8]  }
0x157: {  	[sflag:s7] =	ssyncset.done $0x0  }
0x158: {  	[sflag:s7] =	ssyncadd.s32 $0xFFFFFCF0  }
0x159: {  	[hbm:s11@s5], [sflag:s15] =	dma.strided [spmem:s12@s10], $0x310, s25, $0x10   }
0x15a: {  	_ =	swait.ge [sflag:s7], $0x310  }
0x15b: {  	s13 =	sld [smem:$0x7FC]  }
0x15c: {  	s16 =	sld [smem:$0x7F9]  }
0x15d: {  	[sflag:s7] =	ssyncset.done $0x0  }
0x15e: {  	[sflag:s7] =	ssyncadd.s32 $0xFFFFFCF0  }
0x15f: {  	[hbm:s13@s5], [sflag:s15] =	dma.strided [spmem:s16@s10], $0x310, s25, $0x10   }
0x160: {  	_ =	swait.ge [sflag:s7], $0x310  }
0x161: {  	s21 =	sld [smem:$0x7FD]  }
0x162: {  	s17 =	rddreg [dreg:$0xe]  }
0x163: {  	s0 =	sadd.s32 $0x1, s17  }
0x164: {  	p0 =	sne.s32 s0, s21  }
.Ltmp6:
0x165: {  	_ = 	snop;
	(pc) =	sbr.rel @p0 .LBB2_1-.Ltmp6, $4  }
0x166: {  	s11 =	simm.s32 $0x80;
	[sflag:s7] =	ssyncset.done $0x0  }
0x167: {  	s16 =	smov.u32 s4;
	s13 =	simm.s32 $0x12180;
	[sflag:s7] =	ssyncadd.s32 $0xFFFFFCF0  }
0x168: {  	s17 =	simm.s32 $0x400;
	[dreg:$0xe] =	wrdreg s0;
	s0 =	smov.u32 s1  }
0x169: {  	s1 =	smov.u32 s3;
	s3 =	smov.u32 s9;
	s21 =	simm.s32 $0x200  }
0x16a: {  	_ =	sfence.sel $0x180000  }
0x16b: {  	[bflag:$0x0] =	sbarrier.arrive $0xFFFF  }
0x16c: {  	_ =	strace $0x9000004A  }
0x16d: {  	s0 =	stileid.u32;
	[bflag:$0x2] =	sbarrier.arrive $0xFFFF  }
0x16e: {  	p0 =	sne.s32 s0, $0x0;
	s0 =	rddreg [dreg:$0xa]  }
0x16f: {  	s0 =	sadd.s32 @!p0 $0x100000, s0  }
0x170: {  	[sflag:s0] =	ssyncadd.tile.s32 @!p0 $0x1;
	_ =	shalt  }
.Lfunc_end2:
_tile_overlayer_lowered:
.L_overlay_start_2:
0x171: {  	(tag) =	ssettag $0x2  }
0x172: {  	s0 =	rddreg [dreg:$0x0];
	s2 =	stileid.u32  }
0x173: {  	s1 =	rddreg [dreg:$0x1];
	p0 =	sne.s32 s2, $0x0  }
0x174: {  	s3 =	rddreg [dreg:$0x2];
	[bflag:$0x3] =	sbarrier.arrive $0xFFFF;
	s2 =	simm.s32 @!p0 $0x1C09  }
0x175: {  	[timem:s3], [sflag:s2] =	dma.local @!p0 [hbm:s0], s1  }
0x176: {  	s0 =	simm.s32 @!p0 $0x9  }
0x177: {  	_ =	swait.ge @!p0 [sflag:s0], s1  }
0x178: {  	s1 =	ssub.s32 @!p0 $0x0, s1;
	[sflag:s0] =	ssyncset.done @!p0 $0x0  }
0x179: {  	[sflag:s0] =	ssyncadd.s32 @!p0 s1  }
0x17a: {  	[bflag:$0x3] =	sbarrier.arrive $0xFFFF  }
0x17b: {  	_ =	shalt  }

</sc_bundles>
